<compile_context>
chip_gen: v7x
topology: tpu7x:2x2x1
jax: 0.10.2.dev20260603
libtpu: 0.0.44.dev20260713+nightly
codegen_flags: <defaults>
</compile_context>

<pallas_src>
import functools

import jax
import jax.numpy as jnp
from jax import lax
from jax.experimental import pallas as pl
from jax.experimental.pallas import tpu as pltpu
from jax.experimental.pallas import tpu_sc as plsc

N_ITEM = 10000
N_USER = 10000
E = 160000
D = 256

NC = 2
NS = 16
NW = NC * NS
E_PER_W = E // NW
C = 40
N_CHUNKS = E_PER_W // C
NBUF = 3
OUT_PAD = 5008


def _sc_body(item_hbm, user_hbm, src_hbm, dst_hbm, out_hbm,
             src_all, dst_all, out_all, u_bufs, v_bufs, sems):
  wid = lax.axis_index("s") * NC + lax.axis_index("c")
  w_base = wid * E_PER_W

  pltpu.sync_copy(src_hbm.at[pl.ds(w_base, E_PER_W)], src_all)
  pltpu.sync_copy(dst_hbm.at[pl.ds(w_base, E_PER_W)], dst_all)

  zeros16 = jnp.zeros((16,), jnp.float32)

  def zero_body(i, carry):
    out_all[pl.ds(i * 16, 16)] = zeros16
    return carry

  lax.fori_loop(0, OUT_PAD // 16, zero_body, jnp.int32(0), unroll=4)

  def start(c, b):
    pltpu.async_copy(item_hbm.at[src_all.at[pl.ds(c * C, C)]],
                     u_bufs[b], sems[b])
    pltpu.async_copy(user_hbm.at[dst_all.at[pl.ds(c * C, C)]],
                     v_bufs[b], sems[b])

  def wait(c, b):
    pltpu.make_async_copy(item_hbm.at[src_all.at[pl.ds(c * C, C)]],
                          u_bufs[b], sems[b]).wait()
    pltpu.make_async_copy(user_hbm.at[dst_all.at[pl.ds(c * C, C)]],
                          v_bufs[b], sems[b]).wait()

  def compute(c, b):
    u_buf = u_bufs[b]
    v_buf = v_bufs[b]
    out_base = c * C

    def e_body(e, carry2):
      acc = u_buf[e, pl.ds(0, 16)] * v_buf[e, pl.ds(0, 16)]
      for i in range(1, D // 16):
        acc += u_buf[e, pl.ds(i * 16, 16)] * v_buf[e, pl.ds(i * 16, 16)]
      plsc.addupdate_scatter(
          out_all, [jnp.full((16,), out_base + e, jnp.int32)], acc)
      return carry2

    lax.fori_loop(0, C, e_body, jnp.int32(0), unroll=2)

  for b in range(NBUF - 1):
    start(jnp.int32(b), b)

  def outer(i, carry):
    for p in range(NBUF):
      c = i * NBUF + p

      @pl.when(c + NBUF - 1 < N_CHUNKS)
      def _():
        start(c + NBUF - 1, (p + NBUF - 1) % NBUF)

      @pl.when(c < N_CHUNKS)
      def _():
        wait(c, p)
        compute(c, p)
    return carry

  n_outer = (N_CHUNKS + NBUF - 1) // NBUF
  lax.fori_loop(0, n_outer, outer, jnp.int32(0))

  pltpu.sync_copy(out_all.at[pl.ds(0, E_PER_W)],
                  out_hbm.at[pl.ds(w_base, E_PER_W)])


_sc_call = functools.partial(
    pl.kernel,
    out_type=jax.ShapeDtypeStruct((E,), jnp.float32),
    mesh=plsc.VectorSubcoreMesh(core_axis_name="c", subcore_axis_name="s"),
    compiler_params=pltpu.CompilerParams(
        use_tc_tiling_on_sc=False, needs_layout_passes=False),
    scratch_types=[
        pltpu.VMEM((E_PER_W,), jnp.int32),
        pltpu.VMEM((E_PER_W,), jnp.int32),
        pltpu.VMEM((OUT_PAD,), jnp.float32),
        [pltpu.VMEM((C, D), jnp.float32) for _ in range(NBUF)],
        [pltpu.VMEM((C, D), jnp.float32) for _ in range(NBUF)],
        [pltpu.SemaphoreType.DMA for _ in range(NBUF)],
    ],
)(_sc_body)


@jax.jit
def kernel(item_feats, user_feats, edge_index):
  src = edge_index[0].astype(jnp.int32)
  dst = edge_index[1].astype(jnp.int32)
  return _sc_call(item_feats, user_feats, src, dst)

# --- scband reference (transcript-rebuilt; emitter-appended) ---
"""Pipeline reference for scband-dot-predictor-88828513616040 (READ-ONLY COPY).

The authoritative reference and input builder live on the scoring server;
editing this copy changes nothing except your own understanding.
"""

import jax, jax.numpy as jnp
import numpy as np

N_ITEM = 10000
N_USER = 10000
E = 160000
D = 256

def setup_inputs(seed: int = 0) -> dict:
    key = jax.random.key(seed)
    k1, k2, k3, k4 = jax.random.split(key, 4)
    item_feats = jax.random.normal(k1, (N_ITEM, D), dtype=jnp.float32)
    user_feats = jax.random.normal(k2, (N_USER, D), dtype=jnp.float32)
    src = jax.random.randint(k3, (E,), 0, N_ITEM, dtype=jnp.int64)
    dst = jax.random.randint(k4, (E,), 0, N_USER, dtype=jnp.int64)
    edge_index = jnp.stack([src, dst], axis=0)
    return {"item_feats": item_feats, "user_feats": user_feats, "edge_index": edge_index}

def reference(item_feats, user_feats, edge_index):
    # DGL u_dot_v('feats','feats','score'): per-edge dot product between
    # source ('item') node features and destination ('user') node features.
    src = edge_index[0]
    dst = edge_index[1]
    u = jnp.take(item_feats, src, axis=0)   # gather [E, D]
    v = jnp.take(user_feats, dst, axis=0)   # gather [E, D]
    score = jnp.sum(u * v, axis=-1)          # [E], equals g.edata['score'][:, 0]
    return score

if __name__ == "__main__":
    import jax
    _d = setup_inputs()
    print(jax.jit(kernel)(*tuple(_d.values())))

</pallas_src>

<mosaic_0001>
#map = affine_map<(d0, d1) -> (0, 0)>
#map1 = affine_map<(d0, d1) -> (0)>
module attributes {stable_mosaic.version = 14 : i64} {
  func.func @_sc_body(%arg0: i32, %arg1: i32, %arg2: memref<10000x256xf32, #tpu.memory_space<hbm>>, %arg3: memref<10000x256xf32, #tpu.memory_space<hbm>>, %arg4: memref<160000xi32, #tpu.memory_space<hbm>>, %arg5: memref<160000xi32, #tpu.memory_space<hbm>>, %arg6: memref<160000xf32, #tpu.memory_space<hbm>>, %arg7: memref<5000xi32, #tpu.memory_space<vmem>>, %arg8: memref<5000xi32, #tpu.memory_space<vmem>>, %arg9: memref<5008xf32, #tpu.memory_space<vmem>>, %arg10: memref<40x256xf32, #tpu.memory_space<vmem>>, %arg11: memref<40x256xf32, #tpu.memory_space<vmem>>, %arg12: memref<40x256xf32, #tpu.memory_space<vmem>>, %arg13: memref<40x256xf32, #tpu.memory_space<vmem>>, %arg14: memref<40x256xf32, #tpu.memory_space<vmem>>, %arg15: memref<40x256xf32, #tpu.memory_space<vmem>>, %arg16: memref<!tpu.dma_semaphore, #tpu.memory_space<semaphore_mem>>, %arg17: memref<!tpu.dma_semaphore, #tpu.memory_space<semaphore_mem>>, %arg18: memref<!tpu.dma_semaphore, #tpu.memory_space<semaphore_mem>>) attributes {dimension_semantics = [#tpu.dimension_semantics<core_parallel>, #tpu.dimension_semantics<subcore_parallel>], iteration_bounds = array<i64: 2, 16>, scalar_prefetch = 0 : i64, scratch_operands = 12 : i64, tpu.core_type = #tpu.core_type<sc_vector_subcore>, window_params = [{transform_indices = #map}, {transform_indices = #map}, {transform_indices = #map1}, {transform_indices = #map1}, {transform_indices = #map1}]} {
    %mul3A = arith.constant 2 : i32
    %mul3A_0 = arith.muli %arg1, %mul3A : i32
    %add3A = arith.addi %mul3A_0, %arg0 : i32
    %mul3A_1 = arith.constant 5000 : i32
    %mul3A_2 = arith.muli %add3A, %mul3A_1 : i32
    "tpu.region"() ({
      %run_scoped3A = tpu.sem_alloc : memref<!tpu.dma_semaphore, #tpu.memory_space<semaphore_mem>>
      %dma_start3A_47 = tpu.memref_slice %arg4[%mul3A_2] : memref<160000xi32, #tpu.memory_space<hbm>> -> memref<5000xi32, #tpu.memory_space<hbm>>
      %dma_start3A_48 = tpu.memref_slice %arg4[%mul3A_2] : memref<160000xi32, #tpu.memory_space<hbm>> -> memref<5000xi32, #tpu.memory_space<hbm>>
      tpu.enqueue_dma source(%dma_start3A_48 : memref<5000xi32, #tpu.memory_space<hbm>>) target(%arg7 : memref<5000xi32, #tpu.memory_space<vmem>>) target_semaphore(%run_scoped3A : memref<!tpu.dma_semaphore, #tpu.memory_space<semaphore_mem>>)
      %dma_wait3A = tpu.memref_slice %arg4[%mul3A_2] : memref<160000xi32, #tpu.memory_space<hbm>> -> memref<5000xi32, #tpu.memory_space<hbm>>
      %dma_wait3A_49 = tpu.memref_slice %arg4[%mul3A_2] : memref<160000xi32, #tpu.memory_space<hbm>> -> memref<5000xi32, #tpu.memory_space<hbm>>
      tpu.wait_dma2 semaphore(%run_scoped3A : memref<!tpu.dma_semaphore, #tpu.memory_space<semaphore_mem>>) src(%dma_wait3A_49 : memref<5000xi32, #tpu.memory_space<hbm>>) dst(%arg7 : memref<5000xi32, #tpu.memory_space<vmem>>)
      tpu.yield
    }) : () -> ()
    "tpu.region"() ({
      %run_scoped3A = tpu.sem_alloc : memref<!tpu.dma_semaphore, #tpu.memory_space<semaphore_mem>>
      %dma_start3A_47 = tpu.memref_slice %arg5[%mul3A_2] : memref<160000xi32, #tpu.memory_space<hbm>> -> memref<5000xi32, #tpu.memory_space<hbm>>
      %dma_start3A_48 = tpu.memref_slice %arg5[%mul3A_2] : memref<160000xi32, #tpu.memory_space<hbm>> -> memref<5000xi32, #tpu.memory_space<hbm>>
      tpu.enqueue_dma source(%dma_start3A_48 : memref<5000xi32, #tpu.memory_space<hbm>>) target(%arg8 : memref<5000xi32, #tpu.memory_space<vmem>>) target_semaphore(%run_scoped3A : memref<!tpu.dma_semaphore, #tpu.memory_space<semaphore_mem>>)
      %dma_wait3A = tpu.memref_slice %arg5[%mul3A_2] : memref<160000xi32, #tpu.memory_space<hbm>> -> memref<5000xi32, #tpu.memory_space<hbm>>
      %dma_wait3A_49 = tpu.memref_slice %arg5[%mul3A_2] : memref<160000xi32, #tpu.memory_space<hbm>> -> memref<5000xi32, #tpu.memory_space<hbm>>
      tpu.wait_dma2 semaphore(%run_scoped3A : memref<!tpu.dma_semaphore, #tpu.memory_space<semaphore_mem>>) src(%dma_wait3A_49 : memref<5000xi32, #tpu.memory_space<hbm>>) dst(%arg8 : memref<5000xi32, #tpu.memory_space<vmem>>)
      tpu.yield
    }) : () -> ()
    %broadcast_in_dim3A = arith.constant 0.000000e+00 : f32
    %broadcast_in_dim3A_3 = vector.broadcast %broadcast_in_dim3A : f32 to vector<16xf32>
    %scan3A = arith.constant 0 : i32
    %scan3A_4 = arith.constant 0 : i32
    %scan3A_5 = arith.constant 312 : i32
    %scan3A_6 = arith.addi %scan3A_4, %scan3A_5 : i32
    %scan3A_7 = arith.constant 4 : i32
    scf.for %scan3A_47 = %scan3A_4 to %scan3A_6 step %scan3A_7  : i32 {
      %mul3A_48 = arith.constant 16 : i32
      %mul3A_49 = arith.muli %scan3A_47, %mul3A_48 : i32
      %swap3A_50 = arith.index_cast %mul3A_49 : i32 to index
      %swap3A_51 = tpu.vector_load %arg9[%swap3A_50] {strides = array<i32>} : memref<5008xf32, #tpu.memory_space<vmem>>, vector<16xf32>,
      tpu.vector_store %arg9[%swap3A_50], %broadcast_in_dim3A_3 {strides = array<i32>} : memref<5008xf32, #tpu.memory_space<vmem>>, vector<16xf32>,
      %scan3A_52 = arith.constant 1 : i32
      %scan3A_53 = arith.addi %scan3A_47, %scan3A_52 : i32
      %mul3A_54 = arith.constant 16 : i32
      %mul3A_55 = arith.muli %scan3A_53, %mul3A_54 : i32
      %swap3A_56 = arith.index_cast %mul3A_55 : i32 to index
      %swap3A_57 = tpu.vector_load %arg9[%swap3A_56] {strides = array<i32>} : memref<5008xf32, #tpu.memory_space<vmem>>, vector<16xf32>,
      tpu.vector_store %arg9[%swap3A_56], %broadcast_in_dim3A_3 {strides = array<i32>} : memref<5008xf32, #tpu.memory_space<vmem>>, vector<16xf32>,
      %scan3A_58 = arith.constant 2 : i32
      %scan3A_59 = arith.addi %scan3A_47, %scan3A_58 : i32
      %mul3A_60 = arith.constant 16 : i32
      %mul3A_61 = arith.muli %scan3A_59, %mul3A_60 : i32
      %swap3A_62 = arith.index_cast %mul3A_61 : i32 to index
      %swap3A_63 = tpu.vector_load %arg9[%swap3A_62] {strides = array<i32>} : memref<5008xf32, #tpu.memory_space<vmem>>, vector<16xf32>,
      tpu.vector_store %arg9[%swap3A_62], %broadcast_in_dim3A_3 {strides = array<i32>} : memref<5008xf32, #tpu.memory_space<vmem>>, vector<16xf32>,
      %scan3A_64 = arith.constant 3 : i32
      %scan3A_65 = arith.addi %scan3A_47, %scan3A_64 : i32
      %mul3A_66 = arith.constant 16 : i32
      %mul3A_67 = arith.muli %scan3A_65, %mul3A_66 : i32
      %swap3A_68 = arith.index_cast %mul3A_67 : i32 to index
      %swap3A_69 = tpu.vector_load %arg9[%swap3A_68] {strides = array<i32>} : memref<5008xf32, #tpu.memory_space<vmem>>, vector<16xf32>,
      tpu.vector_store %arg9[%swap3A_68], %broadcast_in_dim3A_3 {strides = array<i32>} : memref<5008xf32, #tpu.memory_space<vmem>>, vector<16xf32>,
    }
    %scan3A_8 = arith.constant 312 : i32
    %scan3A_9 = arith.addi %scan3A_4, %scan3A_8 : i32
    %mul3A_10 = arith.constant 16 : i32
    %mul3A_11 = arith.muli %scan3A_9, %mul3A_10 : i32
    %swap3A = arith.index_cast %mul3A_11 : i32 to index
    %swap3A_12 = tpu.vector_load %arg9[%swap3A] {strides = array<i32>} : memref<5008xf32, #tpu.memory_space<vmem>>, vector<16xf32>,
    tpu.vector_store %arg9[%swap3A], %broadcast_in_dim3A_3 {strides = array<i32>} : memref<5008xf32, #tpu.memory_space<vmem>>, vector<16xf32>,
    %scan3A_13 = arith.constant 313 : i32
    %mul3A_14 = arith.constant 0 : i32
    %mul3A_15 = arith.constant 40 : i32
    %mul3A_16 = arith.muli %mul3A_14, %mul3A_15 : i32
    %dma_start3A = tpu.memref_slice %arg7[%mul3A_16] : memref<5000xi32, #tpu.memory_space<vmem>> -> memref<40xi32, #tpu.memory_space<vmem>>
    %dma_start3A_17 = arith.constant 0 : i32
    %dma_start3A_18 = arith.constant 0 : i32
    %dma_start3A_19 = tpu.memref_slice %arg2[%dma_start3A_17, %dma_start3A_18] : memref<10000x256xf32, #tpu.memory_space<hbm>> -> memref<10000x256xf32, #tpu.memory_space<hbm>>
    tpu.enqueue_indirect_dma source(%dma_start3A_19 : memref<10000x256xf32, #tpu.memory_space<hbm>>) target(%arg10 : memref<40x256xf32, #tpu.memory_space<vmem>>) offsets(%dma_start3A : memref<40xi32, #tpu.memory_space<vmem>>) semaphore(%arg16 : memref<!tpu.dma_semaphore, #tpu.memory_space<semaphore_mem>>)
    %mul3A_20 = arith.constant 0 : i32
    %mul3A_21 = arith.constant 40 : i32
    %mul3A_22 = arith.muli %mul3A_20, %mul3A_21 : i32
    %dma_start3A_23 = tpu.memref_slice %arg8[%mul3A_22] : memref<5000xi32, #tpu.memory_space<vmem>> -> memref<40xi32, #tpu.memory_space<vmem>>
    %dma_start3A_24 = arith.constant 0 : i32
    %dma_start3A_25 = arith.constant 0 : i32
    %dma_start3A_26 = tpu.memref_slice %arg3[%dma_start3A_24, %dma_start3A_25] : memref<10000x256xf32, #tpu.memory_space<hbm>> -> memref<10000x256xf32, #tpu.memory_space<hbm>>
    tpu.enqueue_indirect_dma source(%dma_start3A_26 : memref<10000x256xf32, #tpu.memory_space<hbm>>) target(%arg13 : memref<40x256xf32, #tpu.memory_space<vmem>>) offsets(%dma_start3A_23 : memref<40xi32, #tpu.memory_space<vmem>>) semaphore(%arg16 : memref<!tpu.dma_semaphore, #tpu.memory_space<semaphore_mem>>)
    %mul3A_27 = arith.constant 1 : i32
    %mul3A_28 = arith.constant 40 : i32
    %mul3A_29 = arith.muli %mul3A_27, %mul3A_28 : i32
    %dma_start3A_30 = tpu.memref_slice %arg7[%mul3A_29] : memref<5000xi32, #tpu.memory_space<vmem>> -> memref<40xi32, #tpu.memory_space<vmem>>
    %dma_start3A_31 = arith.constant 0 : i32
    %dma_start3A_32 = arith.constant 0 : i32
    %dma_start3A_33 = tpu.memref_slice %arg2[%dma_start3A_31, %dma_start3A_32] : memref<10000x256xf32, #tpu.memory_space<hbm>> -> memref<10000x256xf32, #tpu.memory_space<hbm>>
    tpu.enqueue_indirect_dma source(%dma_start3A_33 : memref<10000x256xf32, #tpu.memory_space<hbm>>) target(%arg11 : memref<40x256xf32, #tpu.memory_space<vmem>>) offsets(%dma_start3A_30 : memref<40xi32, #tpu.memory_space<vmem>>) semaphore(%arg17 : memref<!tpu.dma_semaphore, #tpu.memory_space<semaphore_mem>>)
    %mul3A_34 = arith.constant 1 : i32
    %mul3A_35 = arith.constant 40 : i32
    %mul3A_36 = arith.muli %mul3A_34, %mul3A_35 : i32
    %dma_start3A_37 = tpu.memref_slice %arg8[%mul3A_36] : memref<5000xi32, #tpu.memory_space<vmem>> -> memref<40xi32, #tpu.memory_space<vmem>>
    %dma_start3A_38 = arith.constant 0 : i32
    %dma_start3A_39 = arith.constant 0 : i32
    %dma_start3A_40 = tpu.memref_slice %arg3[%dma_start3A_38, %dma_start3A_39] : memref<10000x256xf32, #tpu.memory_space<hbm>> -> memref<10000x256xf32, #tpu.memory_space<hbm>>
    tpu.enqueue_indirect_dma source(%dma_start3A_40 : memref<10000x256xf32, #tpu.memory_space<hbm>>) target(%arg14 : memref<40x256xf32, #tpu.memory_space<vmem>>) offsets(%dma_start3A_37 : memref<40xi32, #tpu.memory_space<vmem>>) semaphore(%arg17 : memref<!tpu.dma_semaphore, #tpu.memory_space<semaphore_mem>>)
    %scan3A_41 = arith.constant 0 : i32
    %scan3A_42 = arith.constant 0 : i32
    %scan3A_43 = arith.constant 42 : i32
    %scan3A_44 = arith.addi %scan3A_42, %scan3A_43 : i32
    %scan3A_45 = arith.constant 1 : i32
    scf.for %scan3A_47 = %scan3A_42 to %scan3A_44 step %scan3A_45  : i32 {
      %mul3A_48 = arith.constant 3 : i32
      %mul3A_49 = arith.muli %scan3A_47, %mul3A_48 : i32
      %add3A_50 = arith.constant 0 : i32
      %add3A_51 = arith.addi %mul3A_49, %add3A_50 : i32
      %add3A_52 = arith.constant 3 : i32
      %add3A_53 = arith.addi %add3A_51, %add3A_52 : i32
      %sub3A = arith.constant 1 : i32
      %sub3A_54 = arith.subi %add3A_53, %sub3A : i32
      %lt3A = arith.constant 125 : i32
      %lt3A_55 = arith.cmpi slt, %sub3A_54, %lt3A : i32
      %convert_element_type3A = arith.extui %lt3A_55 : i1 to i32
      %cond3A = arith.constant 0 : i32
      %cond3A_56 = arith.cmpi ne, %convert_element_type3A, %cond3A : i32
      scf.if %cond3A_56 {
        %add3A_98 = arith.constant 3 : i32
        %add3A_99 = arith.addi %add3A_51, %add3A_98 : i32
        %sub3A_100 = arith.constant 1 : i32
        %sub3A_101 = arith.subi %add3A_99, %sub3A_100 : i32
        %mul3A_102 = arith.constant 40 : i32
        %mul3A_103 = arith.muli %sub3A_101, %mul3A_102 : i32
        %dma_start3A_104 = tpu.memref_slice %arg7[%mul3A_103] : memref<5000xi32, #tpu.memory_space<vmem>> -> memref<40xi32, #tpu.memory_space<vmem>>
        %dma_start3A_105 = arith.constant 0 : i32
        %dma_start3A_106 = arith.constant 0 : i32
        %dma_start3A_107 = tpu.memref_slice %arg2[%dma_start3A_105, %dma_start3A_106] : memref<10000x256xf32, #tpu.memory_space<hbm>> -> memref<10000x256xf32, #tpu.memory_space<hbm>>
        tpu.enqueue_indirect_dma source(%dma_start3A_107 : memref<10000x256xf32, #tpu.memory_space<hbm>>) target(%arg12 : memref<40x256xf32, #tpu.memory_space<vmem>>) offsets(%dma_start3A_104 : memref<40xi32, #tpu.memory_space<vmem>>) semaphore(%arg18 : memref<!tpu.dma_semaphore, #tpu.memory_space<semaphore_mem>>)
        %mul3A_108 = arith.constant 40 : i32
        %mul3A_109 = arith.muli %sub3A_101, %mul3A_108 : i32
        %dma_start3A_110 = tpu.memref_slice %arg8[%mul3A_109] : memref<5000xi32, #tpu.memory_space<vmem>> -> memref<40xi32, #tpu.memory_space<vmem>>
        %dma_start3A_111 = arith.constant 0 : i32
        %dma_start3A_112 = arith.constant 0 : i32
        %dma_start3A_113 = tpu.memref_slice %arg3[%dma_start3A_111, %dma_start3A_112] : memref<10000x256xf32, #tpu.memory_space<hbm>> -> memref<10000x256xf32, #tpu.memory_space<hbm>>
        tpu.enqueue_indirect_dma source(%dma_start3A_113 : memref<10000x256xf32, #tpu.memory_space<hbm>>) target(%arg15 : memref<40x256xf32, #tpu.memory_space<vmem>>) offsets(%dma_start3A_110 : memref<40xi32, #tpu.memory_space<vmem>>) semaphore(%arg18 : memref<!tpu.dma_semaphore, #tpu.memory_space<semaphore_mem>>)
      } else {
      }
      %lt3A_57 = arith.constant 125 : i32
      %lt3A_58 = arith.cmpi slt, %add3A_51, %lt3A_57 : i32
      %convert_element_type3A_59 = arith.extui %lt3A_58 : i1 to i32
      %cond3A_60 = arith.constant 0 : i32
      %cond3A_61 = arith.cmpi ne, %convert_element_type3A_59, %cond3A_60 : i32
      scf.if %cond3A_61 {
        %mul3A_98 = arith.constant 40 : i32
        %mul3A_99 = arith.muli %add3A_51, %mul3A_98 : i32
        %dma_wait3A = tpu.memref_slice %arg7[%mul3A_99] : memref<5000xi32, #tpu.memory_space<vmem>> -> memref<40xi32, #tpu.memory_space<vmem>>
        %dma_wait3A_100 = arith.constant 0 : i32
        %dma_wait3A_101 = arith.constant 0 : i32
        %dma_wait3A_102 = tpu.memref_slice %arg2[%dma_wait3A_100, %dma_wait3A_101] : memref<10000x256xf32, #tpu.memory_space<hbm>> -> memref<10000x256xf32, #tpu.memory_space<hbm>>
        tpu.wait_indirect_dma semaphore(%arg16 : memref<!tpu.dma_semaphore, #tpu.memory_space<semaphore_mem>>) src(%dma_wait3A_102 : memref<10000x256xf32, #tpu.memory_space<hbm>>) dst(%arg10 : memref<40x256xf32, #tpu.memory_space<vmem>>)
        %mul3A_103 = arith.constant 40 : i32
        %mul3A_104 = arith.muli %add3A_51, %mul3A_103 : i32
        %dma_wait3A_105 = tpu.memref_slice %arg8[%mul3A_104] : memref<5000xi32, #tpu.memory_space<vmem>> -> memref<40xi32, #tpu.memory_space<vmem>>
        %dma_wait3A_106 = arith.constant 0 : i32
        %dma_wait3A_107 = arith.constant 0 : i32
        %dma_wait3A_108 = tpu.memref_slice %arg3[%dma_wait3A_106, %dma_wait3A_107] : memref<10000x256xf32, #tpu.memory_space<hbm>> -> memref<10000x256xf32, #tpu.memory_space<hbm>>
        tpu.wait_indirect_dma semaphore(%arg16 : memref<!tpu.dma_semaphore, #tpu.memory_space<semaphore_mem>>) src(%dma_wait3A_108 : memref<10000x256xf32, #tpu.memory_space<hbm>>) dst(%arg13 : memref<40x256xf32, #tpu.memory_space<vmem>>)
        %mul3A_109 = arith.constant 40 : i32
        %mul3A_110 = arith.muli %add3A_51, %mul3A_109 : i32
        %scan3A_111 = arith.constant 0 : i32
        %scan3A_112 = arith.constant 0 : i32
        %scan3A_113 = arith.constant 40 : i32
        %scan3A_114 = arith.addi %scan3A_112, %scan3A_113 : i32
        %scan3A_115 = arith.constant 2 : i32
        scf.for %scan3A_117 = %scan3A_112 to %scan3A_114 step %scan3A_115  : i32 {
          %get3A = arith.index_cast %scan3A_117 : i32 to index
          %get3A_118 = arith.constant 0 : index
          %get3A_119 = tpu.vector_load %arg10[%get3A, %get3A_118] {strides = array<i32>} : memref<40x256xf32, #tpu.memory_space<vmem>>, vector<16xf32>,
          %get3A_120 = arith.index_cast %scan3A_117 : i32 to index
          %get3A_121 = arith.constant 0 : index
          %get3A_122 = tpu.vector_load %arg13[%get3A_120, %get3A_121] {strides = array<i32>} : memref<40x256xf32, #tpu.memory_space<vmem>>, vector<16xf32>,
          %mul3A_123 = arith.mulf %get3A_119, %get3A_122 : vector<16xf32>
          %get3A_124 = arith.index_cast %scan3A_117 : i32 to index
          %get3A_125 = arith.constant 16 : index
          %get3A_126 = tpu.vector_load %arg10[%get3A_124, %get3A_125] {strides = array<i32>} : memref<40x256xf32, #tpu.memory_space<vmem>>, vector<16xf32>,
          %get3A_127 = arith.index_cast %scan3A_117 : i32 to index
          %get3A_128 = arith.constant 16 : index
          %get3A_129 = tpu.vector_load %arg13[%get3A_127, %get3A_128] {strides = array<i32>} : memref<40x256xf32, #tpu.memory_space<vmem>>, vector<16xf32>,
          %mul3A_130 = arith.mulf %get3A_126, %get3A_129 : vector<16xf32>
          %add3A_131 = arith.addf %mul3A_123, %mul3A_130 : vector<16xf32>
          %get3A_132 = arith.index_cast %scan3A_117 : i32 to index
          %get3A_133 = arith.constant 32 : index
          %get3A_134 = tpu.vector_load %arg10[%get3A_132, %get3A_133] {strides = array<i32>} : memref<40x256xf32, #tpu.memory_space<vmem>>, vector<16xf32>,
          %get3A_135 = arith.index_cast %scan3A_117 : i32 to index
          %get3A_136 = arith.constant 32 : index
          %get3A_137 = tpu.vector_load %arg13[%get3A_135, %get3A_136] {strides = array<i32>} : memref<40x256xf32, #tpu.memory_space<vmem>>, vector<16xf32>,
          %mul3A_138 = arith.mulf %get3A_134, %get3A_137 : vector<16xf32>
          %add3A_139 = arith.addf %add3A_131, %mul3A_138 : vector<16xf32>
          %get3A_140 = arith.index_cast %scan3A_117 : i32 to index
          %get3A_141 = arith.constant 48 : index
          %get3A_142 = tpu.vector_load %arg10[%get3A_140, %get3A_141] {strides = array<i32>} : memref<40x256xf32, #tpu.memory_space<vmem>>, vector<16xf32>,
          %get3A_143 = arith.index_cast %scan3A_117 : i32 to index
          %get3A_144 = arith.constant 48 : index
          %get3A_145 = tpu.vector_load %arg13[%get3A_143, %get3A_144] {strides = array<i32>} : memref<40x256xf32, #tpu.memory_space<vmem>>, vector<16xf32>,
          %mul3A_146 = arith.mulf %get3A_142, %get3A_145 : vector<16xf32>
          %add3A_147 = arith.addf %add3A_139, %mul3A_146 : vector<16xf32>
          %get3A_148 = arith.index_cast %scan3A_117 : i32 to index
          %get3A_149 = arith.constant 64 : index
          %get3A_150 = tpu.vector_load %arg10[%get3A_148, %get3A_149] {strides = array<i32>} : memref<40x256xf32, #tpu.memory_space<vmem>>, vector<16xf32>,
          %get3A_151 = arith.index_cast %scan3A_117 : i32 to index
          %get3A_152 = arith.constant 64 : index
          %get3A_153 = tpu.vector_load %arg13[%get3A_151, %get3A_152] {strides = array<i32>} : memref<40x256xf32, #tpu.memory_space<vmem>>, vector<16xf32>,
          %mul3A_154 = arith.mulf %get3A_150, %get3A_153 : vector<16xf32>
          %add3A_155 = arith.addf %add3A_147, %mul3A_154 : vector<16xf32>
          %get3A_156 = arith.index_cast %scan3A_117 : i32 to index
          %get3A_157 = arith.constant 80 : index
          %get3A_158 = tpu.vector_load %arg10[%get3A_156, %get3A_157] {strides = array<i32>} : memref<40x256xf32, #tpu.memory_space<vmem>>, vector<16xf32>,
          %get3A_159 = arith.index_cast %scan3A_117 : i32 to index
          %get3A_160 = arith.constant 80 : index
          %get3A_161 = tpu.vector_load %arg13[%get3A_159, %get3A_160] {strides = array<i32>} : memref<40x256xf32, #tpu.memory_space<vmem>>, vector<16xf32>,
          %mul3A_162 = arith.mulf %get3A_158, %get3A_161 : vector<16xf32>
          %add3A_163 = arith.addf %add3A_155, %mul3A_162 : vector<16xf32>
          %get3A_164 = arith.index_cast %scan3A_117 : i32 to index
          %get3A_165 = arith.constant 96 : index
          %get3A_166 = tpu.vector_load %arg10[%get3A_164, %get3A_165] {strides = array<i32>} : memref<40x256xf32, #tpu.memory_space<vmem>>, vector<16xf32>,
          %get3A_167 = arith.index_cast %scan3A_117 : i32 to index
          %get3A_168 = arith.constant 96 : index
          %get3A_169 = tpu.vector_load %arg13[%get3A_167, %get3A_168] {strides = array<i32>} : memref<40x256xf32, #tpu.memory_space<vmem>>, vector<16xf32>,
          %mul3A_170 = arith.mulf %get3A_166, %get3A_169 : vector<16xf32>
          %add3A_171 = arith.addf %add3A_163, %mul3A_170 : vector<16xf32>
          %get3A_172 = arith.index_cast %scan3A_117 : i32 to index
          %get3A_173 = arith.constant 112 : index
          %get3A_174 = tpu.vector_load %arg10[%get3A_172, %get3A_173] {strides = array<i32>} : memref<40x256xf32, #tpu.memory_space<vmem>>, vector<16xf32>,
          %get3A_175 = arith.index_cast %scan3A_117 : i32 to index
          %get3A_176 = arith.constant 112 : index
          %get3A_177 = tpu.vector_load %arg13[%get3A_175, %get3A_176] {strides = array<i32>} : memref<40x256xf32, #tpu.memory_space<vmem>>, vector<16xf32>,
          %mul3A_178 = arith.mulf %get3A_174, %get3A_177 : vector<16xf32>
          %add3A_179 = arith.addf %add3A_171, %mul3A_178 : vector<16xf32>
          %get3A_180 = arith.index_cast %scan3A_117 : i32 to index
          %get3A_181 = arith.constant 128 : index
          %get3A_182 = tpu.vector_load %arg10[%get3A_180, %get3A_181] {strides = array<i32>} : memref<40x256xf32, #tpu.memory_space<vmem>>, vector<16xf32>,
          %get3A_183 = arith.index_cast %scan3A_117 : i32 to index
          %get3A_184 = arith.constant 128 : index
          %get3A_185 = tpu.vector_load %arg13[%get3A_183, %get3A_184] {strides = array<i32>} : memref<40x256xf32, #tpu.memory_space<vmem>>, vector<16xf32>,
          %mul3A_186 = arith.mulf %get3A_182, %get3A_185 : vector<16xf32>
          %add3A_187 = arith.addf %add3A_179, %mul3A_186 : vector<16xf32>
          %get3A_188 = arith.index_cast %scan3A_117 : i32 to index
          %get3A_189 = arith.constant 144 : index
          %get3A_190 = tpu.vector_load %arg10[%get3A_188, %get3A_189] {strides = array<i32>} : memref<40x256xf32, #tpu.memory_space<vmem>>, vector<16xf32>,
          %get3A_191 = arith.index_cast %scan3A_117 : i32 to index
          %get3A_192 = arith.constant 144 : index
          %get3A_193 = tpu.vector_load %arg13[%get3A_191, %get3A_192] {strides = array<i32>} : memref<40x256xf32, #tpu.memory_space<vmem>>, vector<16xf32>,
          %mul3A_194 = arith.mulf %get3A_190, %get3A_193 : vector<16xf32>
          %add3A_195 = arith.addf %add3A_187, %mul3A_194 : vector<16xf32>
          %get3A_196 = arith.index_cast %scan3A_117 : i32 to index
          %get3A_197 = arith.constant 160 : index
          %get3A_198 = tpu.vector_load %arg10[%get3A_196, %get3A_197] {strides = array<i32>} : memref<40x256xf32, #tpu.memory_space<vmem>>, vector<16xf32>,
          %get3A_199 = arith.index_cast %scan3A_117 : i32 to index
          %get3A_200 = arith.constant 160 : index
          %get3A_201 = tpu.vector_load %arg13[%get3A_199, %get3A_200] {strides = array<i32>} : memref<40x256xf32, #tpu.memory_space<vmem>>, vector<16xf32>,
          %mul3A_202 = arith.mulf %get3A_198, %get3A_201 : vector<16xf32>
          %add3A_203 = arith.addf %add3A_195, %mul3A_202 : vector<16xf32>
          %get3A_204 = arith.index_cast %scan3A_117 : i32 to index
          %get3A_205 = arith.constant 176 : index
          %get3A_206 = tpu.vector_load %arg10[%get3A_204, %get3A_205] {strides = array<i32>} : memref<40x256xf32, #tpu.memory_space<vmem>>, vector<16xf32>,
          %get3A_207 = arith.index_cast %scan3A_117 : i32 to index
          %get3A_208 = arith.constant 176 : index
          %get3A_209 = tpu.vector_load %arg13[%get3A_207, %get3A_208] {strides = array<i32>} : memref<40x256xf32, #tpu.memory_space<vmem>>, vector<16xf32>,
          %mul3A_210 = arith.mulf %get3A_206, %get3A_209 : vector<16xf32>
          %add3A_211 = arith.addf %add3A_203, %mul3A_210 : vector<16xf32>
          %get3A_212 = arith.index_cast %scan3A_117 : i32 to index
          %get3A_213 = arith.constant 192 : index
          %get3A_214 = tpu.vector_load %arg10[%get3A_212, %get3A_213] {strides = array<i32>} : memref<40x256xf32, #tpu.memory_space<vmem>>, vector<16xf32>,
          %get3A_215 = arith.index_cast %scan3A_117 : i32 to index
          %get3A_216 = arith.constant 192 : index
          %get3A_217 = tpu.vector_load %arg13[%get3A_215, %get3A_216] {strides = array<i32>} : memref<40x256xf32, #tpu.memory_space<vmem>>, vector<16xf32>,
          %mul3A_218 = arith.mulf %get3A_214, %get3A_217 : vector<16xf32>
          %add3A_219 = arith.addf %add3A_211, %mul3A_218 : vector<16xf32>
          %get3A_220 = arith.index_cast %scan3A_117 : i32 to index
          %get3A_221 = arith.constant 208 : index
          %get3A_222 = tpu.vector_load %arg10[%get3A_220, %get3A_221] {strides = array<i32>} : memref<40x256xf32, #tpu.memory_space<vmem>>, vector<16xf32>,
          %get3A_223 = arith.index_cast %scan3A_117 : i32 to index
          %get3A_224 = arith.constant 208 : index
          %get3A_225 = tpu.vector_load %arg13[%get3A_223, %get3A_224] {strides = array<i32>} : memref<40x256xf32, #tpu.memory_space<vmem>>, vector<16xf32>,
          %mul3A_226 = arith.mulf %get3A_222, %get3A_225 : vector<16xf32>
          %add3A_227 = arith.addf %add3A_219, %mul3A_226 : vector<16xf32>
          %get3A_228 = arith.index_cast %scan3A_117 : i32 to index
          %get3A_229 = arith.constant 224 : index
          %get3A_230 = tpu.vector_load %arg10[%get3A_228, %get3A_229] {strides = array<i32>} : memref<40x256xf32, #tpu.memory_space<vmem>>, vector<16xf32>,
          %get3A_231 = arith.index_cast %scan3A_117 : i32 to index
          %get3A_232 = arith.constant 224 : index
          %get3A_233 = tpu.vector_load %arg13[%get3A_231, %get3A_232] {strides = array<i32>} : memref<40x256xf32, #tpu.memory_space<vmem>>, vector<16xf32>,
          %mul3A_234 = arith.mulf %get3A_230, %get3A_233 : vector<16xf32>
          %add3A_235 = arith.addf %add3A_227, %mul3A_234 : vector<16xf32>
          %get3A_236 = arith.index_cast %scan3A_117 : i32 to index
          %get3A_237 = arith.constant 240 : index
          %get3A_238 = tpu.vector_load %arg10[%get3A_236, %get3A_237] {strides = array<i32>} : memref<40x256xf32, #tpu.memory_space<vmem>>, vector<16xf32>,
          %get3A_239 = arith.index_cast %scan3A_117 : i32 to index
          %get3A_240 = arith.constant 240 : index
          %get3A_241 = tpu.vector_load %arg13[%get3A_239, %get3A_240] {strides = array<i32>} : memref<40x256xf32, #tpu.memory_space<vmem>>, vector<16xf32>,
          %mul3A_242 = arith.mulf %get3A_238, %get3A_241 : vector<16xf32>
          %add3A_243 = arith.addf %add3A_235, %mul3A_242 : vector<16xf32>
          %add3A_244 = arith.addi %mul3A_110, %scan3A_117 : i32
          %broadcast_in_dim3A_245 = vector.broadcast %add3A_244 : i32 to vector<16xi32>
          tpu.vector_store_idx %arg9[%broadcast_in_dim3A_245], %add3A_243 {add = true} : memref<5008xf32, #tpu.memory_space<vmem>>[vector<16xi32>], vector<16xf32>,
          %scan3A_246 = arith.constant 1 : i32
          %scan3A_247 = arith.addi %scan3A_117, %scan3A_246 : i32
          %get3A_248 = arith.index_cast %scan3A_247 : i32 to index
          %get3A_249 = arith.constant 0 : index
          %get3A_250 = tpu.vector_load %arg10[%get3A_248, %get3A_249] {strides = array<i32>} : memref<40x256xf32, #tpu.memory_space<vmem>>, vector<16xf32>,
          %get3A_251 = arith.index_cast %scan3A_247 : i32 to index
          %get3A_252 = arith.constant 0 : index
          %get3A_253 = tpu.vector_load %arg13[%get3A_251, %get3A_252] {strides = array<i32>} : memref<40x256xf32, #tpu.memory_space<vmem>>, vector<16xf32>,
          %mul3A_254 = arith.mulf %get3A_250, %get3A_253 : vector<16xf32>
          %get3A_255 = arith.index_cast %scan3A_247 : i32 to index
          %get3A_256 = arith.constant 16 : index
          %get3A_257 = tpu.vector_load %arg10[%get3A_255, %get3A_256] {strides = array<i32>} : memref<40x256xf32, #tpu.memory_space<vmem>>, vector<16xf32>,
          %get3A_258 = arith.index_cast %scan3A_247 : i32 to index
          %get3A_259 = arith.constant 16 : index
          %get3A_260 = tpu.vector_load %arg13[%get3A_258, %get3A_259] {strides = array<i32>} : memref<40x256xf32, #tpu.memory_space<vmem>>, vector<16xf32>,
          %mul3A_261 = arith.mulf %get3A_257, %get3A_260 : vector<16xf32>
          %add3A_262 = arith.addf %mul3A_254, %mul3A_261 : vector<16xf32>
          %get3A_263 = arith.index_cast %scan3A_247 : i32 to index
          %get3A_264 = arith.constant 32 : index
          %get3A_265 = tpu.vector_load %arg10[%get3A_263, %get3A_264] {strides = array<i32>} : memref<40x256xf32, #tpu.memory_space<vmem>>, vector<16xf32>,
          %get3A_266 = arith.index_cast %scan3A_247 : i32 to index
          %get3A_267 = arith.constant 32 : index
          %get3A_268 = tpu.vector_load %arg13[%get3A_266, %get3A_267] {strides = array<i32>} : memref<40x256xf32, #tpu.memory_space<vmem>>, vector<16xf32>,
          %mul3A_269 = arith.mulf %get3A_265, %get3A_268 : vector<16xf32>
          %add3A_270 = arith.addf %add3A_262, %mul3A_269 : vector<16xf32>
          %get3A_271 = arith.index_cast %scan3A_247 : i32 to index
          %get3A_272 = arith.constant 48 : index
          %get3A_273 = tpu.vector_load %arg10[%get3A_271, %get3A_272] {strides = array<i32>} : memref<40x256xf32, #tpu.memory_space<vmem>>, vector<16xf32>,
          %get3A_274 = arith.index_cast %scan3A_247 : i32 to index
          %get3A_275 = arith.constant 48 : index
          %get3A_276 = tpu.vector_load %arg13[%get3A_274, %get3A_275] {strides = array<i32>} : memref<40x256xf32, #tpu.memory_space<vmem>>, vector<16xf32>,
          %mul3A_277 = arith.mulf %get3A_273, %get3A_276 : vector<16xf32>
          %add3A_278 = arith.addf %add3A_270, %mul3A_277 : vector<16xf32>
          %get3A_279 = arith.index_cast %scan3A_247 : i32 to index
          %get3A_280 = arith.constant 64 : index
          %get3A_281 = tpu.vector_load %arg10[%get3A_279, %get3A_280] {strides = array<i32>} : memref<40x256xf32, #tpu.memory_space<vmem>>, vector<16xf32>,
          %get3A_282 = arith.index_cast %scan3A_247 : i32 to index
          %get3A_283 = arith.constant 64 : index
          %get3A_284 = tpu.vector_load %arg13[%get3A_282, %get3A_283] {strides = array<i32>} : memref<40x256xf32, #tpu.memory_space<vmem>>, vector<16xf32>,
          %mul3A_285 = arith.mulf %get3A_281, %get3A_284 : vector<16xf32>
          %add3A_286 = arith.addf %add3A_278, %mul3A_285 : vector<16xf32>
          %get3A_287 = arith.index_cast %scan3A_247 : i32 to index
          %get3A_288 = arith.constant 80 : index
          %get3A_289 = tpu.vector_load %arg10[%get3A_287, %get3A_288] {strides = array<i32>} : memref<40x256xf32, #tpu.memory_space<vmem>>, vector<16xf32>,
          %get3A_290 = arith.index_cast %scan3A_247 : i32 to index
          %get3A_291 = arith.constant 80 : index
          %get3A_292 = tpu.vector_load %arg13[%get3A_290, %get3A_291] {strides = array<i32>} : memref<40x256xf32, #tpu.memory_space<vmem>>, vector<16xf32>,
          %mul3A_293 = arith.mulf %get3A_289, %get3A_292 : vector<16xf32>
          %add3A_294 = arith.addf %add3A_286, %mul3A_293 : vector<16xf32>
          %get3A_295 = arith.index_cast %scan3A_247 : i32 to index
          %get3A_296 = arith.constant 96 : index
          %get3A_297 = tpu.vector_load %arg10[%get3A_295, %get3A_296] {strides = array<i32>} : memref<40x256xf32, #tpu.memory_space<vmem>>, vector<16xf32>,
          %get3A_298 = arith.index_cast %scan3A_247 : i32 to index
          %get3A_299 = arith.constant 96 : index
          %get3A_300 = tpu.vector_load %arg13[%get3A_298, %get3A_299] {strides = array<i32>} : memref<40x256xf32, #tpu.memory_space<vmem>>, vector<16xf32>,
          %mul3A_301 = arith.mulf %get3A_297, %get3A_300 : vector<16xf32>
          %add3A_302 = arith.addf %add3A_294, %mul3A_301 : vector<16xf32>
          %get3A_303 = arith.index_cast %scan3A_247 : i32 to index
          %get3A_304 = arith.constant 112 : index
          %get3A_305 = tpu.vector_load %arg10[%get3A_303, %get3A_304] {strides = array<i32>} : memref<40x256xf32, #tpu.memory_space<vmem>>, vector<16xf32>,
          %get3A_306 = arith.index_cast %scan3A_247 : i32 to index
          %get3A_307 = arith.constant 112 : index
          %get3A_308 = tpu.vector_load %arg13[%get3A_306, %get3A_307] {strides = array<i32>} : memref<40x256xf32, #tpu.memory_space<vmem>>, vector<16xf32>,
          %mul3A_309 = arith.mulf %get3A_305, %get3A_308 : vector<16xf32>
          %add3A_310 = arith.addf %add3A_302, %mul3A_309 : vector<16xf32>
          %get3A_311 = arith.index_cast %scan3A_247 : i32 to index
          %get3A_312 = arith.constant 128 : index
          %get3A_313 = tpu.vector_load %arg10[%get3A_311, %get3A_312] {strides = array<i32>} : memref<40x256xf32, #tpu.memory_space<vmem>>, vector<16xf32>,
          %get3A_314 = arith.index_cast %scan3A_247 : i32 to index
          %get3A_315 = arith.constant 128 : index
          %get3A_316 = tpu.vector_load %arg13[%get3A_314, %get3A_315] {strides = array<i32>} : memref<40x256xf32, #tpu.memory_space<vmem>>, vector<16xf32>,
          %mul3A_317 = arith.mulf %get3A_313, %get3A_316 : vector<16xf32>
          %add3A_318 = arith.addf %add3A_310, %mul3A_317 : vector<16xf32>
          %get3A_319 = arith.index_cast %scan3A_247 : i32 to index
          %get3A_320 = arith.constant 144 : index
          %get3A_321 = tpu.vector_load %arg10[%get3A_319, %get3A_320] {strides = array<i32>} : memref<40x256xf32, #tpu.memory_space<vmem>>, vector<16xf32>,
          %get3A_322 = arith.index_cast %scan3A_247 : i32 to index
          %get3A_323 = arith.constant 144 : index
          %get3A_324 = tpu.vector_load %arg13[%get3A_322, %get3A_323] {strides = array<i32>} : memref<40x256xf32, #tpu.memory_space<vmem>>, vector<16xf32>,
          %mul3A_325 = arith.mulf %get3A_321, %get3A_324 : vector<16xf32>
          %add3A_326 = arith.addf %add3A_318, %mul3A_325 : vector<16xf32>
          %get3A_327 = arith.index_cast %scan3A_247 : i32 to index
          %get3A_328 = arith.constant 160 : index
          %get3A_329 = tpu.vector_load %arg10[%get3A_327, %get3A_328] {strides = array<i32>} : memref<40x256xf32, #tpu.memory_space<vmem>>, vector<16xf32>,
          %get3A_330 = arith.index_cast %scan3A_247 : i32 to index
          %get3A_331 = arith.constant 160 : index
          %get3A_332 = tpu.vector_load %arg13[%get3A_330, %get3A_331] {strides = array<i32>} : memref<40x256xf32, #tpu.memory_space<vmem>>, vector<16xf32>,
          %mul3A_333 = arith.mulf %get3A_329, %get3A_332 : vector<16xf32>
          %add3A_334 = arith.addf %add3A_326, %mul3A_333 : vector<16xf32>
          %get3A_335 = arith.index_cast %scan3A_247 : i32 to index
          %get3A_336 = arith.constant 176 : index
          %get3A_337 = tpu.vector_load %arg10[%get3A_335, %get3A_336] {strides = array<i32>} : memref<40x256xf32, #tpu.memory_space<vmem>>, vector<16xf32>,
          %get3A_338 = arith.index_cast %scan3A_247 : i32 to index
          %get3A_339 = arith.constant 176 : index
          %get3A_340 = tpu.vector_load %arg13[%get3A_338, %get3A_339] {strides = array<i32>} : memref<40x256xf32, #tpu.memory_space<vmem>>, vector<16xf32>,
          %mul3A_341 = arith.mulf %get3A_337, %get3A_340 : vector<16xf32>
          %add3A_342 = arith.addf %add3A_334, %mul3A_341 : vector<16xf32>
          %get3A_343 = arith.index_cast %scan3A_247 : i32 to index
          %get3A_344 = arith.constant 192 : index
          %get3A_345 = tpu.vector_load %arg10[%get3A_343, %get3A_344] {strides = array<i32>} : memref<40x256xf32, #tpu.memory_space<vmem>>, vector<16xf32>,
          %get3A_346 = arith.index_cast %scan3A_247 : i32 to index
          %get3A_347 = arith.constant 192 : index
          %get3A_348 = tpu.vector_load %arg13[%get3A_346, %get3A_347] {strides = array<i32>} : memref<40x256xf32, #tpu.memory_space<vmem>>, vector<16xf32>,
          %mul3A_349 = arith.mulf %get3A_345, %get3A_348 : vector<16xf32>
          %add3A_350 = arith.addf %add3A_342, %mul3A_349 : vector<16xf32>
          %get3A_351 = arith.index_cast %scan3A_247 : i32 to index
          %get3A_352 = arith.constant 208 : index
          %get3A_353 = tpu.vector_load %arg10[%get3A_351, %get3A_352] {strides = array<i32>} : memref<40x256xf32, #tpu.memory_space<vmem>>, vector<16xf32>,
          %get3A_354 = arith.index_cast %scan3A_247 : i32 to index
          %get3A_355 = arith.constant 208 : index
          %get3A_356 = tpu.vector_load %arg13[%get3A_354, %get3A_355] {strides = array<i32>} : memref<40x256xf32, #tpu.memory_space<vmem>>, vector<16xf32>,
          %mul3A_357 = arith.mulf %get3A_353, %get3A_356 : vector<16xf32>
          %add3A_358 = arith.addf %add3A_350, %mul3A_357 : vector<16xf32>
          %get3A_359 = arith.index_cast %scan3A_247 : i32 to index
          %get3A_360 = arith.constant 224 : index
          %get3A_361 = tpu.vector_load %arg10[%get3A_359, %get3A_360] {strides = array<i32>} : memref<40x256xf32, #tpu.memory_space<vmem>>, vector<16xf32>,
          %get3A_362 = arith.index_cast %scan3A_247 : i32 to index
          %get3A_363 = arith.constant 224 : index
          %get3A_364 = tpu.vector_load %arg13[%get3A_362, %get3A_363] {strides = array<i32>} : memref<40x256xf32, #tpu.memory_space<vmem>>, vector<16xf32>,
          %mul3A_365 = arith.mulf %get3A_361, %get3A_364 : vector<16xf32>
          %add3A_366 = arith.addf %add3A_358, %mul3A_365 : vector<16xf32>
          %get3A_367 = arith.index_cast %scan3A_247 : i32 to index
          %get3A_368 = arith.constant 240 : index
          %get3A_369 = tpu.vector_load %arg10[%get3A_367, %get3A_368] {strides = array<i32>} : memref<40x256xf32, #tpu.memory_space<vmem>>, vector<16xf32>,
          %get3A_370 = arith.index_cast %scan3A_247 : i32 to index
          %get3A_371 = arith.constant 240 : index
          %get3A_372 = tpu.vector_load %arg13[%get3A_370, %get3A_371] {strides = array<i32>} : memref<40x256xf32, #tpu.memory_space<vmem>>, vector<16xf32>,
          %mul3A_373 = arith.mulf %get3A_369, %get3A_372 : vector<16xf32>
          %add3A_374 = arith.addf %add3A_366, %mul3A_373 : vector<16xf32>
          %add3A_375 = arith.addi %mul3A_110, %scan3A_247 : i32
          %broadcast_in_dim3A_376 = vector.broadcast %add3A_375 : i32 to vector<16xi32>
          tpu.vector_store_idx %arg9[%broadcast_in_dim3A_376], %add3A_374 {add = true} : memref<5008xf32, #tpu.memory_space<vmem>>[vector<16xi32>], vector<16xf32>,
        }
        %scan3A_116 = arith.constant 40 : i32
      } else {
      }
      %mul3A_62 = arith.constant 3 : i32
      %mul3A_63 = arith.muli %scan3A_47, %mul3A_62 : i32
      %add3A_64 = arith.constant 1 : i32
      %add3A_65 = arith.addi %mul3A_63, %add3A_64 : i32
      %add3A_66 = arith.constant 3 : i32
      %add3A_67 = arith.addi %add3A_65, %add3A_66 : i32
      %sub3A_68 = arith.constant 1 : i32
      %sub3A_69 = arith.subi %add3A_67, %sub3A_68 : i32
      %lt3A_70 = arith.constant 125 : i32
      %lt3A_71 = arith.cmpi slt, %sub3A_69, %lt3A_70 : i32
      %convert_element_type3A_72 = arith.extui %lt3A_71 : i1 to i32
      %cond3A_73 = arith.constant 0 : i32
      %cond3A_74 = arith.cmpi ne, %convert_element_type3A_72, %cond3A_73 : i32
      scf.if %cond3A_74 {
        %add3A_98 = arith.constant 3 : i32
        %add3A_99 = arith.addi %add3A_65, %add3A_98 : i32
        %sub3A_100 = arith.constant 1 : i32
        %sub3A_101 = arith.subi %add3A_99, %sub3A_100 : i32
        %mul3A_102 = arith.constant 40 : i32
        %mul3A_103 = arith.muli %sub3A_101, %mul3A_102 : i32
        %dma_start3A_104 = tpu.memref_slice %arg7[%mul3A_103] : memref<5000xi32, #tpu.memory_space<vmem>> -> memref<40xi32, #tpu.memory_space<vmem>>
        %dma_start3A_105 = arith.constant 0 : i32
        %dma_start3A_106 = arith.constant 0 : i32
        %dma_start3A_107 = tpu.memref_slice %arg2[%dma_start3A_105, %dma_start3A_106] : memref<10000x256xf32, #tpu.memory_space<hbm>> -> memref<10000x256xf32, #tpu.memory_space<hbm>>
        tpu.enqueue_indirect_dma source(%dma_start3A_107 : memref<10000x256xf32, #tpu.memory_space<hbm>>) target(%arg10 : memref<40x256xf32, #tpu.memory_space<vmem>>) offsets(%dma_start3A_104 : memref<40xi32, #tpu.memory_space<vmem>>) semaphore(%arg16 : memref<!tpu.dma_semaphore, #tpu.memory_space<semaphore_mem>>)
        %mul3A_108 = arith.constant 40 : i32
        %mul3A_109 = arith.muli %sub3A_101, %mul3A_108 : i32
        %dma_start3A_110 = tpu.memref_slice %arg8[%mul3A_109] : memref<5000xi32, #tpu.memory_space<vmem>> -> memref<40xi32, #tpu.memory_space<vmem>>
        %dma_start3A_111 = arith.constant 0 : i32
        %dma_start3A_112 = arith.constant 0 : i32
        %dma_start3A_113 = tpu.memref_slice %arg3[%dma_start3A_111, %dma_start3A_112] : memref<10000x256xf32, #tpu.memory_space<hbm>> -> memref<10000x256xf32, #tpu.memory_space<hbm>>
        tpu.enqueue_indirect_dma source(%dma_start3A_113 : memref<10000x256xf32, #tpu.memory_space<hbm>>) target(%arg13 : memref<40x256xf32, #tpu.memory_space<vmem>>) offsets(%dma_start3A_110 : memref<40xi32, #tpu.memory_space<vmem>>) semaphore(%arg16 : memref<!tpu.dma_semaphore, #tpu.memory_space<semaphore_mem>>)
      } else {
      }
      %lt3A_75 = arith.constant 125 : i32
      %lt3A_76 = arith.cmpi slt, %add3A_65, %lt3A_75 : i32
      %convert_element_type3A_77 = arith.extui %lt3A_76 : i1 to i32
      %cond3A_78 = arith.constant 0 : i32
      %cond3A_79 = arith.cmpi ne, %convert_element_type3A_77, %cond3A_78 : i32
      scf.if %cond3A_79 {
        %mul3A_98 = arith.constant 40 : i32
        %mul3A_99 = arith.muli %add3A_65, %mul3A_98 : i32
        %dma_wait3A = tpu.memref_slice %arg7[%mul3A_99] : memref<5000xi32, #tpu.memory_space<vmem>> -> memref<40xi32, #tpu.memory_space<vmem>>
        %dma_wait3A_100 = arith.constant 0 : i32
        %dma_wait3A_101 = arith.constant 0 : i32
        %dma_wait3A_102 = tpu.memref_slice %arg2[%dma_wait3A_100, %dma_wait3A_101] : memref<10000x256xf32, #tpu.memory_space<hbm>> -> memref<10000x256xf32, #tpu.memory_space<hbm>>
        tpu.wait_indirect_dma semaphore(%arg17 : memref<!tpu.dma_semaphore, #tpu.memory_space<semaphore_mem>>) src(%dma_wait3A_102 : memref<10000x256xf32, #tpu.memory_space<hbm>>) dst(%arg11 : memref<40x256xf32, #tpu.memory_space<vmem>>)
        %mul3A_103 = arith.constant 40 : i32
        %mul3A_104 = arith.muli %add3A_65, %mul3A_103 : i32
        %dma_wait3A_105 = tpu.memref_slice %arg8[%mul3A_104] : memref<5000xi32, #tpu.memory_space<vmem>> -> memref<40xi32, #tpu.memory_space<vmem>>
        %dma_wait3A_106 = arith.constant 0 : i32
        %dma_wait3A_107 = arith.constant 0 : i32
        %dma_wait3A_108 = tpu.memref_slice %arg3[%dma_wait3A_106, %dma_wait3A_107] : memref<10000x256xf32, #tpu.memory_space<hbm>> -> memref<10000x256xf32, #tpu.memory_space<hbm>>
        tpu.wait_indirect_dma semaphore(%arg17 : memref<!tpu.dma_semaphore, #tpu.memory_space<semaphore_mem>>) src(%dma_wait3A_108 : memref<10000x256xf32, #tpu.memory_space<hbm>>) dst(%arg14 : memref<40x256xf32, #tpu.memory_space<vmem>>)
        %mul3A_109 = arith.constant 40 : i32
        %mul3A_110 = arith.muli %add3A_65, %mul3A_109 : i32
        %scan3A_111 = arith.constant 0 : i32
        %scan3A_112 = arith.constant 0 : i32
        %scan3A_113 = arith.constant 40 : i32
        %scan3A_114 = arith.addi %scan3A_112, %scan3A_113 : i32
        %scan3A_115 = arith.constant 2 : i32
        scf.for %scan3A_117 = %scan3A_112 to %scan3A_114 step %scan3A_115  : i32 {
          %get3A = arith.index_cast %scan3A_117 : i32 to index
          %get3A_118 = arith.constant 0 : index
          %get3A_119 = tpu.vector_load %arg11[%get3A, %get3A_118] {strides = array<i32>} : memref<40x256xf32, #tpu.memory_space<vmem>>, vector<16xf32>,
          %get3A_120 = arith.index_cast %scan3A_117 : i32 to index
          %get3A_121 = arith.constant 0 : index
          %get3A_122 = tpu.vector_load %arg14[%get3A_120, %get3A_121] {strides = array<i32>} : memref<40x256xf32, #tpu.memory_space<vmem>>, vector<16xf32>,
          %mul3A_123 = arith.mulf %get3A_119, %get3A_122 : vector<16xf32>
          %get3A_124 = arith.index_cast %scan3A_117 : i32 to index
          %get3A_125 = arith.constant 16 : index
          %get3A_126 = tpu.vector_load %arg11[%get3A_124, %get3A_125] {strides = array<i32>} : memref<40x256xf32, #tpu.memory_space<vmem>>, vector<16xf32>,
          %get3A_127 = arith.index_cast %scan3A_117 : i32 to index
          %get3A_128 = arith.constant 16 : index
          %get3A_129 = tpu.vector_load %arg14[%get3A_127, %get3A_128] {strides = array<i32>} : memref<40x256xf32, #tpu.memory_space<vmem>>, vector<16xf32>,
          %mul3A_130 = arith.mulf %get3A_126, %get3A_129 : vector<16xf32>
          %add3A_131 = arith.addf %mul3A_123, %mul3A_130 : vector<16xf32>
          %get3A_132 = arith.index_cast %scan3A_117 : i32 to index
          %get3A_133 = arith.constant 32 : index
          %get3A_134 = tpu.vector_load %arg11[%get3A_132, %get3A_133] {strides = array<i32>} : memref<40x256xf32, #tpu.memory_space<vmem>>, vector<16xf32>,
          %get3A_135 = arith.index_cast %scan3A_117 : i32 to index
          %get3A_136 = arith.constant 32 : index
          %get3A_137 = tpu.vector_load %arg14[%get3A_135, %get3A_136] {strides = array<i32>} : memref<40x256xf32, #tpu.memory_space<vmem>>, vector<16xf32>,
          %mul3A_138 = arith.mulf %get3A_134, %get3A_137 : vector<16xf32>
          %add3A_139 = arith.addf %add3A_131, %mul3A_138 : vector<16xf32>
          %get3A_140 = arith.index_cast %scan3A_117 : i32 to index
          %get3A_141 = arith.constant 48 : index
          %get3A_142 = tpu.vector_load %arg11[%get3A_140, %get3A_141] {strides = array<i32>} : memref<40x256xf32, #tpu.memory_space<vmem>>, vector<16xf32>,
          %get3A_143 = arith.index_cast %scan3A_117 : i32 to index
          %get3A_144 = arith.constant 48 : index
          %get3A_145 = tpu.vector_load %arg14[%get3A_143, %get3A_144] {strides = array<i32>} : memref<40x256xf32, #tpu.memory_space<vmem>>, vector<16xf32>,
          %mul3A_146 = arith.mulf %get3A_142, %get3A_145 : vector<16xf32>
          %add3A_147 = arith.addf %add3A_139, %mul3A_146 : vector<16xf32>
          %get3A_148 = arith.index_cast %scan3A_117 : i32 to index
          %get3A_149 = arith.constant 64 : index
          %get3A_150 = tpu.vector_load %arg11[%get3A_148, %get3A_149] {strides = array<i32>} : memref<40x256xf32, #tpu.memory_space<vmem>>, vector<16xf32>,
          %get3A_151 = arith.index_cast %scan3A_117 : i32 to index
          %get3A_152 = arith.constant 64 : index
          %get3A_153 = tpu.vector_load %arg14[%get3A_151, %get3A_152] {strides = array<i32>} : memref<40x256xf32, #tpu.memory_space<vmem>>, vector<16xf32>,
          %mul3A_154 = arith.mulf %get3A_150, %get3A_153 : vector<16xf32>
          %add3A_155 = arith.addf %add3A_147, %mul3A_154 : vector<16xf32>
          %get3A_156 = arith.index_cast %scan3A_117 : i32 to index
          %get3A_157 = arith.constant 80 : index
          %get3A_158 = tpu.vector_load %arg11[%get3A_156, %get3A_157] {strides = array<i32>} : memref<40x256xf32, #tpu.memory_space<vmem>>, vector<16xf32>,
          %get3A_159 = arith.index_cast %scan3A_117 : i32 to index
          %get3A_160 = arith.constant 80 : index
          %get3A_161 = tpu.vector_load %arg14[%get3A_159, %get3A_160] {strides = array<i32>} : memref<40x256xf32, #tpu.memory_space<vmem>>, vector<16xf32>,
          %mul3A_162 = arith.mulf %get3A_158, %get3A_161 : vector<16xf32>
          %add3A_163 = arith.addf %add3A_155, %mul3A_162 : vector<16xf32>
          %get3A_164 = arith.index_cast %scan3A_117 : i32 to index
          %get3A_165 = arith.constant 96 : index
          %get3A_166 = tpu.vector_load %arg11[%get3A_164, %get3A_165] {strides = array<i32>} : memref<40x256xf32, #tpu.memory_space<vmem>>, vector<16xf32>,
          %get3A_167 = arith.index_cast %scan3A_117 : i32 to index
          %get3A_168 = arith.constant 96 : index
          %get3A_169 = tpu.vector_load %arg14[%get3A_167, %get3A_168] {strides = array<i32>} : memref<40x256xf32, #tpu.memory_space<vmem>>, vector<16xf32>,
          %mul3A_170 = arith.mulf %get3A_166, %get3A_169 : vector<16xf32>
          %add3A_171 = arith.addf %add3A_163, %mul3A_170 : vector<16xf32>
          %get3A_172 = arith.index_cast %scan3A_117 : i32 to index
          %get3A_173 = arith.constant 112 : index
          %get3A_174 = tpu.vector_load %arg11[%get3A_172, %get3A_173] {strides = array<i32>} : memref<40x256xf32, #tpu.memory_space<vmem>>, vector<16xf32>,
          %get3A_175 = arith.index_cast %scan3A_117 : i32 to index
          %get3A_176 = arith.constant 112 : index
          %get3A_177 = tpu.vector_load %arg14[%get3A_175, %get3A_176] {strides = array<i32>} : memref<40x256xf32, #tpu.memory_space<vmem>>, vector<16xf32>,
          %mul3A_178 = arith.mulf %get3A_174, %get3A_177 : vector<16xf32>
          %add3A_179 = arith.addf %add3A_171, %mul3A_178 : vector<16xf32>
          %get3A_180 = arith.index_cast %scan3A_117 : i32 to index
          %get3A_181 = arith.constant 128 : index
          %get3A_182 = tpu.vector_load %arg11[%get3A_180, %get3A_181] {strides = array<i32>} : memref<40x256xf32, #tpu.memory_space<vmem>>, vector<16xf32>,
          %get3A_183 = arith.index_cast %scan3A_117 : i32 to index
          %get3A_184 = arith.constant 128 : index
          %get3A_185 = tpu.vector_load %arg14[%get3A_183, %get3A_184] {strides = array<i32>} : memref<40x256xf32, #tpu.memory_space<vmem>>, vector<16xf32>,
          %mul3A_186 = arith.mulf %get3A_182, %get3A_185 : vector<16xf32>
          %add3A_187 = arith.addf %add3A_179, %mul3A_186 : vector<16xf32>
          %get3A_188 = arith.index_cast %scan3A_117 : i32 to index
          %get3A_189 = arith.constant 144 : index
          %get3A_190 = tpu.vector_load %arg11[%get3A_188, %get3A_189] {strides = array<i32>} : memref<40x256xf32, #tpu.memory_space<vmem>>, vector<16xf32>,
          %get3A_191 = arith.index_cast %scan3A_117 : i32 to index
          %get3A_192 = arith.constant 144 : index
          %get3A_193 = tpu.vector_load %arg14[%get3A_191, %get3A_192] {strides = array<i32>} : memref<40x256xf32, #tpu.memory_space<vmem>>, vector<16xf32>,
          %mul3A_194 = arith.mulf %get3A_190, %get3A_193 : vector<16xf32>
          %add3A_195 = arith.addf %add3A_187, %mul3A_194 : vector<16xf32>
          %get3A_196 = arith.index_cast %scan3A_117 : i32 to index
          %get3A_197 = arith.constant 160 : index
          %get3A_198 = tpu.vector_load %arg11[%get3A_196, %get3A_197] {strides = array<i32>} : memref<40x256xf32, #tpu.memory_space<vmem>>, vector<16xf32>,
          %get3A_199 = arith.index_cast %scan3A_117 : i32 to index
          %get3A_200 = arith.constant 160 : index
          %get3A_201 = tpu.vector_load %arg14[%get3A_199, %get3A_200] {strides = array<i32>} : memref<40x256xf32, #tpu.memory_space<vmem>>, vector<16xf32>,
          %mul3A_202 = arith.mulf %get3A_198, %get3A_201 : vector<16xf32>
          %add3A_203 = arith.addf %add3A_195, %mul3A_202 : vector<16xf32>
          %get3A_204 = arith.index_cast %scan3A_117 : i32 to index
          %get3A_205 = arith.constant 176 : index
          %get3A_206 = tpu.vector_load %arg11[%get3A_204, %get3A_205] {strides = array<i32>} : memref<40x256xf32, #tpu.memory_space<vmem>>, vector<16xf32>,
          %get3A_207 = arith.index_cast %scan3A_117 : i32 to index
          %get3A_208 = arith.constant 176 : index
          %get3A_209 = tpu.vector_load %arg14[%get3A_207, %get3A_208] {strides = array<i32>} : memref<40x256xf32, #tpu.memory_space<vmem>>, vector<16xf32>,
          %mul3A_210 = arith.mulf %get3A_206, %get3A_209 : vector<16xf32>
          %add3A_211 = arith.addf %add3A_203, %mul3A_210 : vector<16xf32>
          %get3A_212 = arith.index_cast %scan3A_117 : i32 to index
          %get3A_213 = arith.constant 192 : index
          %get3A_214 = tpu.vector_load %arg11[%get3A_212, %get3A_213] {strides = array<i32>} : memref<40x256xf32, #tpu.memory_space<vmem>>, vector<16xf32>,
          %get3A_215 = arith.index_cast %scan3A_117 : i32 to index
          %get3A_216 = arith.constant 192 : index
          %get3A_217 = tpu.vector_load %arg14[%get3A_215, %get3A_216] {strides = array<i32>} : memref<40x256xf32, #tpu.memory_space<vmem>>, vector<16xf32>,
          %mul3A_218 = arith.mulf %get3A_214, %get3A_217 : vector<16xf32>
          %add3A_219 = arith.addf %add3A_211, %mul3A_218 : vector<16xf32>
          %get3A_220 = arith.index_cast %scan3A_117 : i32 to index
          %get3A_221 = arith.constant 208 : index
          %get3A_222 = tpu.vector_load %arg11[%get3A_220, %get3A_221] {strides = array<i32>} : memref<40x256xf32, #tpu.memory_space<vmem>>, vector<16xf32>,
          %get3A_223 = arith.index_cast %scan3A_117 : i32 to index
          %get3A_224 = arith.constant 208 : index
          %get3A_225 = tpu.vector_load %arg14[%get3A_223, %get3A_224] {strides = array<i32>} : memref<40x256xf32, #tpu.memory_space<vmem>>, vector<16xf32>,
          %mul3A_226 = arith.mulf %get3A_222, %get3A_225 : vector<16xf32>
          %add3A_227 = arith.addf %add3A_219, %mul3A_226 : vector<16xf32>
          %get3A_228 = arith.index_cast %scan3A_117 : i32 to index
          %get3A_229 = arith.constant 224 : index
          %get3A_230 = tpu.vector_load %arg11[%get3A_228, %get3A_229] {strides = array<i32>} : memref<40x256xf32, #tpu.memory_space<vmem>>, vector<16xf32>,
          %get3A_231 = arith.index_cast %scan3A_117 : i32 to index
          %get3A_232 = arith.constant 224 : index
          %get3A_233 = tpu.vector_load %arg14[%get3A_231, %get3A_232] {strides = array<i32>} : memref<40x256xf32, #tpu.memory_space<vmem>>, vector<16xf32>,
          %mul3A_234 = arith.mulf %get3A_230, %get3A_233 : vector<16xf32>
          %add3A_235 = arith.addf %add3A_227, %mul3A_234 : vector<16xf32>
          %get3A_236 = arith.index_cast %scan3A_117 : i32 to index
          %get3A_237 = arith.constant 240 : index
          %get3A_238 = tpu.vector_load %arg11[%get3A_236, %get3A_237] {strides = array<i32>} : memref<40x256xf32, #tpu.memory_space<vmem>>, vector<16xf32>,
          %get3A_239 = arith.index_cast %scan3A_117 : i32 to index
          %get3A_240 = arith.constant 240 : index
          %get3A_241 = tpu.vector_load %arg14[%get3A_239, %get3A_240] {strides = array<i32>} : memref<40x256xf32, #tpu.memory_space<vmem>>, vector<16xf32>,
          %mul3A_242 = arith.mulf %get3A_238, %get3A_241 : vector<16xf32>
          %add3A_243 = arith.addf %add3A_235, %mul3A_242 : vector<16xf32>
          %add3A_244 = arith.addi %mul3A_110, %scan3A_117 : i32
          %broadcast_in_dim3A_245 = vector.broadcast %add3A_244 : i32 to vector<16xi32>
          tpu.vector_store_idx %arg9[%broadcast_in_dim3A_245], %add3A_243 {add = true} : memref<5008xf32, #tpu.memory_space<vmem>>[vector<16xi32>], vector<16xf32>,
          %scan3A_246 = arith.constant 1 : i32
          %scan3A_247 = arith.addi %scan3A_117, %scan3A_246 : i32
          %get3A_248 = arith.index_cast %scan3A_247 : i32 to index
          %get3A_249 = arith.constant 0 : index
          %get3A_250 = tpu.vector_load %arg11[%get3A_248, %get3A_249] {strides = array<i32>} : memref<40x256xf32, #tpu.memory_space<vmem>>, vector<16xf32>,
          %get3A_251 = arith.index_cast %scan3A_247 : i32 to index
          %get3A_252 = arith.constant 0 : index
          %get3A_253 = tpu.vector_load %arg14[%get3A_251, %get3A_252] {strides = array<i32>} : memref<40x256xf32, #tpu.memory_space<vmem>>, vector<16xf32>,
          %mul3A_254 = arith.mulf %get3A_250, %get3A_253 : vector<16xf32>
          %get3A_255 = arith.index_cast %scan3A_247 : i32 to index
          %get3A_256 = arith.constant 16 : index
          %get3A_257 = tpu.vector_load %arg11[%get3A_255, %get3A_256] {strides = array<i32>} : memref<40x256xf32, #tpu.memory_space<vmem>>, vector<16xf32>,
          %get3A_258 = arith.index_cast %scan3A_247 : i32 to index
          %get3A_259 = arith.constant 16 : index
          %get3A_260 = tpu.vector_load %arg14[%get3A_258, %get3A_259] {strides = array<i32>} : memref<40x256xf32, #tpu.memory_space<vmem>>, vector<16xf32>,
          %mul3A_261 = arith.mulf %get3A_257, %get3A_260 : vector<16xf32>
          %add3A_262 = arith.addf %mul3A_254, %mul3A_261 : vector<16xf32>
          %get3A_263 = arith.index_cast %scan3A_247 : i32 to index
          %get3A_264 = arith.constant 32 : index
          %get3A_265 = tpu.vector_load %arg11[%get3A_263, %get3A_264] {strides = array<i32>} : memref<40x256xf32, #tpu.memory_space<vmem>>, vector<16xf32>,
          %get3A_266 = arith.index_cast %scan3A_247 : i32 to index
          %get3A_267 = arith.constant 32 : index
          %get3A_268 = tpu.vector_load %arg14[%get3A_266, %get3A_267] {strides = array<i32>} : memref<40x256xf32, #tpu.memory_space<vmem>>, vector<16xf32>,
          %mul3A_269 = arith.mulf %get3A_265, %get3A_268 : vector<16xf32>
          %add3A_270 = arith.addf %add3A_262, %mul3A_269 : vector<16xf32>
          %get3A_271 = arith.index_cast %scan3A_247 : i32 to index
          %get3A_272 = arith.constant 48 : index
          %get3A_273 = tpu.vector_load %arg11[%get3A_271, %get3A_272] {strides = array<i32>} : memref<40x256xf32, #tpu.memory_space<vmem>>, vector<16xf32>,
          %get3A_274 = arith.index_cast %scan3A_247 : i32 to index
          %get3A_275 = arith.constant 48 : index
          %get3A_276 = tpu.vector_load %arg14[%get3A_274, %get3A_275] {strides = array<i32>} : memref<40x256xf32, #tpu.memory_space<vmem>>, vector<16xf32>,
          %mul3A_277 = arith.mulf %get3A_273, %get3A_276 : vector<16xf32>
          %add3A_278 = arith.addf %add3A_270, %mul3A_277 : vector<16xf32>
          %get3A_279 = arith.index_cast %scan3A_247 : i32 to index
          %get3A_280 = arith.constant 64 : index
          %get3A_281 = tpu.vector_load %arg11[%get3A_279, %get3A_280] {strides = array<i32>} : memref<40x256xf32, #tpu.memory_space<vmem>>, vector<16xf32>,
          %get3A_282 = arith.index_cast %scan3A_247 : i32 to index
          %get3A_283 = arith.constant 64 : index
          %get3A_284 = tpu.vector_load %arg14[%get3A_282, %get3A_283] {strides = array<i32>} : memref<40x256xf32, #tpu.memory_space<vmem>>, vector<16xf32>,
          %mul3A_285 = arith.mulf %get3A_281, %get3A_284 : vector<16xf32>
          %add3A_286 = arith.addf %add3A_278, %mul3A_285 : vector<16xf32>
          %get3A_287 = arith.index_cast %scan3A_247 : i32 to index
          %get3A_288 = arith.constant 80 : index
          %get3A_289 = tpu.vector_load %arg11[%get3A_287, %get3A_288] {strides = array<i32>} : memref<40x256xf32, #tpu.memory_space<vmem>>, vector<16xf32>,
          %get3A_290 = arith.index_cast %scan3A_247 : i32 to index
          %get3A_291 = arith.constant 80 : index
          %get3A_292 = tpu.vector_load %arg14[%get3A_290, %get3A_291] {strides = array<i32>} : memref<40x256xf32, #tpu.memory_space<vmem>>, vector<16xf32>,
          %mul3A_293 = arith.mulf %get3A_289, %get3A_292 : vector<16xf32>
          %add3A_294 = arith.addf %add3A_286, %mul3A_293 : vector<16xf32>
          %get3A_295 = arith.index_cast %scan3A_247 : i32 to index
          %get3A_296 = arith.constant 96 : index
          %get3A_297 = tpu.vector_load %arg11[%get3A_295, %get3A_296] {strides = array<i32>} : memref<40x256xf32, #tpu.memory_space<vmem>>, vector<16xf32>,
          %get3A_298 = arith.index_cast %scan3A_247 : i32 to index
          %get3A_299 = arith.constant 96 : index
          %get3A_300 = tpu.vector_load %arg14[%get3A_298, %get3A_299] {strides = array<i32>} : memref<40x256xf32, #tpu.memory_space<vmem>>, vector<16xf32>,
          %mul3A_301 = arith.mulf %get3A_297, %get3A_300 : vector<16xf32>
          %add3A_302 = arith.addf %add3A_294, %mul3A_301 : vector<16xf32>
          %get3A_303 = arith.index_cast %scan3A_247 : i32 to index
          %get3A_304 = arith.constant 112 : index
          %get3A_305 = tpu.vector_load %arg11[%get3A_303, %get3A_304] {strides = array<i32>} : memref<40x256xf32, #tpu.memory_space<vmem>>, vector<16xf32>,
          %get3A_306 = arith.index_cast %scan3A_247 : i32 to index
          %get3A_307 = arith.constant 112 : index
          %get3A_308 = tpu.vector_load %arg14[%get3A_306, %get3A_307] {strides = array<i32>} : memref<40x256xf32, #tpu.memory_space<vmem>>, vector<16xf32>,
          %mul3A_309 = arith.mulf %get3A_305, %get3A_308 : vector<16xf32>
          %add3A_310 = arith.addf %add3A_302, %mul3A_309 : vector<16xf32>
          %get3A_311 = arith.index_cast %scan3A_247 : i32 to index
          %get3A_312 = arith.constant 128 : index
          %get3A_313 = tpu.vector_load %arg11[%get3A_311, %get3A_312] {strides = array<i32>} : memref<40x256xf32, #tpu.memory_space<vmem>>, vector<16xf32>,
          %get3A_314 = arith.index_cast %scan3A_247 : i32 to index
          %get3A_315 = arith.constant 128 : index
          %get3A_316 = tpu.vector_load %arg14[%get3A_314, %get3A_315] {strides = array<i32>} : memref<40x256xf32, #tpu.memory_space<vmem>>, vector<16xf32>,
          %mul3A_317 = arith.mulf %get3A_313, %get3A_316 : vector<16xf32>
          %add3A_318 = arith.addf %add3A_310, %mul3A_317 : vector<16xf32>
          %get3A_319 = arith.index_cast %scan3A_247 : i32 to index
          %get3A_320 = arith.constant 144 : index
          %get3A_321 = tpu.vector_load %arg11[%get3A_319, %get3A_320] {strides = array<i32>} : memref<40x256xf32, #tpu.memory_space<vmem>>, vector<16xf32>,
          %get3A_322 = arith.index_cast %scan3A_247 : i32 to index
          %get3A_323 = arith.constant 144 : index
          %get3A_324 = tpu.vector_load %arg14[%get3A_322, %get3A_323] {strides = array<i32>} : memref<40x256xf32, #tpu.memory_space<vmem>>, vector<16xf32>,
          %mul3A_325 = arith.mulf %get3A_321, %get3A_324 : vector<16xf32>
          %add3A_326 = arith.addf %add3A_318, %mul3A_325 : vector<16xf32>
          %get3A_327 = arith.index_cast %scan3A_247 : i32 to index
          %get3A_328 = arith.constant 160 : index
          %get3A_329 = tpu.vector_load %arg11[%get3A_327, %get3A_328] {strides = array<i32>} : memref<40x256xf32, #tpu.memory_space<vmem>>, vector<16xf32>,
          %get3A_330 = arith.index_cast %scan3A_247 : i32 to index
          %get3A_331 = arith.constant 160 : index
          %get3A_332 = tpu.vector_load %arg14[%get3A_330, %get3A_331] {strides = array<i32>} : memref<40x256xf32, #tpu.memory_space<vmem>>, vector<16xf32>,
          %mul3A_333 = arith.mulf %get3A_329, %get3A_332 : vector<16xf32>
          %add3A_334 = arith.addf %add3A_326, %mul3A_333 : vector<16xf32>
          %get3A_335 = arith.index_cast %scan3A_247 : i32 to index
          %get3A_336 = arith.constant 176 : index
          %get3A_337 = tpu.vector_load %arg11[%get3A_335, %get3A_336] {strides = array<i32>} : memref<40x256xf32, #tpu.memory_space<vmem>>, vector<16xf32>,
          %get3A_338 = arith.index_cast %scan3A_247 : i32 to index
          %get3A_339 = arith.constant 176 : index
          %get3A_340 = tpu.vector_load %arg14[%get3A_338, %get3A_339] {strides = array<i32>} : memref<40x256xf32, #tpu.memory_space<vmem>>, vector<16xf32>,
          %mul3A_341 = arith.mulf %get3A_337, %get3A_340 : vector<16xf32>
          %add3A_342 = arith.addf %add3A_334, %mul3A_341 : vector<16xf32>
          %get3A_343 = arith.index_cast %scan3A_247 : i32 to index
          %get3A_344 = arith.constant 192 : index
          %get3A_345 = tpu.vector_load %arg11[%get3A_343, %get3A_344] {strides = array<i32>} : memref<40x256xf32, #tpu.memory_space<vmem>>, vector<16xf32>,
          %get3A_346 = arith.index_cast %scan3A_247 : i32 to index
          %get3A_347 = arith.constant 192 : index
          %get3A_348 = tpu.vector_load %arg14[%get3A_346, %get3A_347] {strides = array<i32>} : memref<40x256xf32, #tpu.memory_space<vmem>>, vector<16xf32>,
          %mul3A_349 = arith.mulf %get3A_345, %get3A_348 : vector<16xf32>
          %add3A_350 = arith.addf %add3A_342, %mul3A_349 : vector<16xf32>
          %get3A_351 = arith.index_cast %scan3A_247 : i32 to index
          %get3A_352 = arith.constant 208 : index
          %get3A_353 = tpu.vector_load %arg11[%get3A_351, %get3A_352] {strides = array<i32>} : memref<40x256xf32, #tpu.memory_space<vmem>>, vector<16xf32>,
          %get3A_354 = arith.index_cast %scan3A_247 : i32 to index
          %get3A_355 = arith.constant 208 : index
          %get3A_356 = tpu.vector_load %arg14[%get3A_354, %get3A_355] {strides = array<i32>} : memref<40x256xf32, #tpu.memory_space<vmem>>, vector<16xf32>,
          %mul3A_357 = arith.mulf %get3A_353, %get3A_356 : vector<16xf32>
          %add3A_358 = arith.addf %add3A_350, %mul3A_357 : vector<16xf32>
          %get3A_359 = arith.index_cast %scan3A_247 : i32 to index
          %get3A_360 = arith.constant 224 : index
          %get3A_361 = tpu.vector_load %arg11[%get3A_359, %get3A_360] {strides = array<i32>} : memref<40x256xf32, #tpu.memory_space<vmem>>, vector<16xf32>,
          %get3A_362 = arith.index_cast %scan3A_247 : i32 to index
          %get3A_363 = arith.constant 224 : index
          %get3A_364 = tpu.vector_load %arg14[%get3A_362, %get3A_363] {strides = array<i32>} : memref<40x256xf32, #tpu.memory_space<vmem>>, vector<16xf32>,
          %mul3A_365 = arith.mulf %get3A_361, %get3A_364 : vector<16xf32>
          %add3A_366 = arith.addf %add3A_358, %mul3A_365 : vector<16xf32>
          %get3A_367 = arith.index_cast %scan3A_247 : i32 to index
          %get3A_368 = arith.constant 240 : index
          %get3A_369 = tpu.vector_load %arg11[%get3A_367, %get3A_368] {strides = array<i32>} : memref<40x256xf32, #tpu.memory_space<vmem>>, vector<16xf32>,
          %get3A_370 = arith.index_cast %scan3A_247 : i32 to index
          %get3A_371 = arith.constant 240 : index
          %get3A_372 = tpu.vector_load %arg14[%get3A_370, %get3A_371] {strides = array<i32>} : memref<40x256xf32, #tpu.memory_space<vmem>>, vector<16xf32>,
          %mul3A_373 = arith.mulf %get3A_369, %get3A_372 : vector<16xf32>
          %add3A_374 = arith.addf %add3A_366, %mul3A_373 : vector<16xf32>
          %add3A_375 = arith.addi %mul3A_110, %scan3A_247 : i32
          %broadcast_in_dim3A_376 = vector.broadcast %add3A_375 : i32 to vector<16xi32>
          tpu.vector_store_idx %arg9[%broadcast_in_dim3A_376], %add3A_374 {add = true} : memref<5008xf32, #tpu.memory_space<vmem>>[vector<16xi32>], vector<16xf32>,
        }
        %scan3A_116 = arith.constant 40 : i32
      } else {
      }
      %mul3A_80 = arith.constant 3 : i32
      %mul3A_81 = arith.muli %scan3A_47, %mul3A_80 : i32
      %add3A_82 = arith.constant 2 : i32
      %add3A_83 = arith.addi %mul3A_81, %add3A_82 : i32
      %add3A_84 = arith.constant 3 : i32
      %add3A_85 = arith.addi %add3A_83, %add3A_84 : i32
      %sub3A_86 = arith.constant 1 : i32
      %sub3A_87 = arith.subi %add3A_85, %sub3A_86 : i32
      %lt3A_88 = arith.constant 125 : i32
      %lt3A_89 = arith.cmpi slt, %sub3A_87, %lt3A_88 : i32
      %convert_element_type3A_90 = arith.extui %lt3A_89 : i1 to i32
      %cond3A_91 = arith.constant 0 : i32
      %cond3A_92 = arith.cmpi ne, %convert_element_type3A_90, %cond3A_91 : i32
      scf.if %cond3A_92 {
        %add3A_98 = arith.constant 3 : i32
        %add3A_99 = arith.addi %add3A_83, %add3A_98 : i32
        %sub3A_100 = arith.constant 1 : i32
        %sub3A_101 = arith.subi %add3A_99, %sub3A_100 : i32
        %mul3A_102 = arith.constant 40 : i32
        %mul3A_103 = arith.muli %sub3A_101, %mul3A_102 : i32
        %dma_start3A_104 = tpu.memref_slice %arg7[%mul3A_103] : memref<5000xi32, #tpu.memory_space<vmem>> -> memref<40xi32, #tpu.memory_space<vmem>>
        %dma_start3A_105 = arith.constant 0 : i32
        %dma_start3A_106 = arith.constant 0 : i32
        %dma_start3A_107 = tpu.memref_slice %arg2[%dma_start3A_105, %dma_start3A_106] : memref<10000x256xf32, #tpu.memory_space<hbm>> -> memref<10000x256xf32, #tpu.memory_space<hbm>>
        tpu.enqueue_indirect_dma source(%dma_start3A_107 : memref<10000x256xf32, #tpu.memory_space<hbm>>) target(%arg11 : memref<40x256xf32, #tpu.memory_space<vmem>>) offsets(%dma_start3A_104 : memref<40xi32, #tpu.memory_space<vmem>>) semaphore(%arg17 : memref<!tpu.dma_semaphore, #tpu.memory_space<semaphore_mem>>)
        %mul3A_108 = arith.constant 40 : i32
        %mul3A_109 = arith.muli %sub3A_101, %mul3A_108 : i32
        %dma_start3A_110 = tpu.memref_slice %arg8[%mul3A_109] : memref<5000xi32, #tpu.memory_space<vmem>> -> memref<40xi32, #tpu.memory_space<vmem>>
        %dma_start3A_111 = arith.constant 0 : i32
        %dma_start3A_112 = arith.constant 0 : i32
        %dma_start3A_113 = tpu.memref_slice %arg3[%dma_start3A_111, %dma_start3A_112] : memref<10000x256xf32, #tpu.memory_space<hbm>> -> memref<10000x256xf32, #tpu.memory_space<hbm>>
        tpu.enqueue_indirect_dma source(%dma_start3A_113 : memref<10000x256xf32, #tpu.memory_space<hbm>>) target(%arg14 : memref<40x256xf32, #tpu.memory_space<vmem>>) offsets(%dma_start3A_110 : memref<40xi32, #tpu.memory_space<vmem>>) semaphore(%arg17 : memref<!tpu.dma_semaphore, #tpu.memory_space<semaphore_mem>>)
      } else {
      }
      %lt3A_93 = arith.constant 125 : i32
      %lt3A_94 = arith.cmpi slt, %add3A_83, %lt3A_93 : i32
      %convert_element_type3A_95 = arith.extui %lt3A_94 : i1 to i32
      %cond3A_96 = arith.constant 0 : i32
      %cond3A_97 = arith.cmpi ne, %convert_element_type3A_95, %cond3A_96 : i32
      scf.if %cond3A_97 {
        %mul3A_98 = arith.constant 40 : i32
        %mul3A_99 = arith.muli %add3A_83, %mul3A_98 : i32
        %dma_wait3A = tpu.memref_slice %arg7[%mul3A_99] : memref<5000xi32, #tpu.memory_space<vmem>> -> memref<40xi32, #tpu.memory_space<vmem>>
        %dma_wait3A_100 = arith.constant 0 : i32
        %dma_wait3A_101 = arith.constant 0 : i32
        %dma_wait3A_102 = tpu.memref_slice %arg2[%dma_wait3A_100, %dma_wait3A_101] : memref<10000x256xf32, #tpu.memory_space<hbm>> -> memref<10000x256xf32, #tpu.memory_space<hbm>>
        tpu.wait_indirect_dma semaphore(%arg18 : memref<!tpu.dma_semaphore, #tpu.memory_space<semaphore_mem>>) src(%dma_wait3A_102 : memref<10000x256xf32, #tpu.memory_space<hbm>>) dst(%arg12 : memref<40x256xf32, #tpu.memory_space<vmem>>)
        %mul3A_103 = arith.constant 40 : i32
        %mul3A_104 = arith.muli %add3A_83, %mul3A_103 : i32
        %dma_wait3A_105 = tpu.memref_slice %arg8[%mul3A_104] : memref<5000xi32, #tpu.memory_space<vmem>> -> memref<40xi32, #tpu.memory_space<vmem>>
        %dma_wait3A_106 = arith.constant 0 : i32
        %dma_wait3A_107 = arith.constant 0 : i32
        %dma_wait3A_108 = tpu.memref_slice %arg3[%dma_wait3A_106, %dma_wait3A_107] : memref<10000x256xf32, #tpu.memory_space<hbm>> -> memref<10000x256xf32, #tpu.memory_space<hbm>>
        tpu.wait_indirect_dma semaphore(%arg18 : memref<!tpu.dma_semaphore, #tpu.memory_space<semaphore_mem>>) src(%dma_wait3A_108 : memref<10000x256xf32, #tpu.memory_space<hbm>>) dst(%arg15 : memref<40x256xf32, #tpu.memory_space<vmem>>)
        %mul3A_109 = arith.constant 40 : i32
        %mul3A_110 = arith.muli %add3A_83, %mul3A_109 : i32
        %scan3A_111 = arith.constant 0 : i32
        %scan3A_112 = arith.constant 0 : i32
        %scan3A_113 = arith.constant 40 : i32
        %scan3A_114 = arith.addi %scan3A_112, %scan3A_113 : i32
        %scan3A_115 = arith.constant 2 : i32
        scf.for %scan3A_117 = %scan3A_112 to %scan3A_114 step %scan3A_115  : i32 {
          %get3A = arith.index_cast %scan3A_117 : i32 to index
          %get3A_118 = arith.constant 0 : index
          %get3A_119 = tpu.vector_load %arg12[%get3A, %get3A_118] {strides = array<i32>} : memref<40x256xf32, #tpu.memory_space<vmem>>, vector<16xf32>,
          %get3A_120 = arith.index_cast %scan3A_117 : i32 to index
          %get3A_121 = arith.constant 0 : index
          %get3A_122 = tpu.vector_load %arg15[%get3A_120, %get3A_121] {strides = array<i32>} : memref<40x256xf32, #tpu.memory_space<vmem>>, vector<16xf32>,
          %mul3A_123 = arith.mulf %get3A_119, %get3A_122 : vector<16xf32>
          %get3A_124 = arith.index_cast %scan3A_117 : i32 to index
          %get3A_125 = arith.constant 16 : index
          %get3A_126 = tpu.vector_load %arg12[%get3A_124, %get3A_125] {strides = array<i32>} : memref<40x256xf32, #tpu.memory_space<vmem>>, vector<16xf32>,
          %get3A_127 = arith.index_cast %scan3A_117 : i32 to index
          %get3A_128 = arith.constant 16 : index
          %get3A_129 = tpu.vector_load %arg15[%get3A_127, %get3A_128] {strides = array<i32>} : memref<40x256xf32, #tpu.memory_space<vmem>>, vector<16xf32>,
          %mul3A_130 = arith.mulf %get3A_126, %get3A_129 : vector<16xf32>
          %add3A_131 = arith.addf %mul3A_123, %mul3A_130 : vector<16xf32>
          %get3A_132 = arith.index_cast %scan3A_117 : i32 to index
          %get3A_133 = arith.constant 32 : index
          %get3A_134 = tpu.vector_load %arg12[%get3A_132, %get3A_133] {strides = array<i32>} : memref<40x256xf32, #tpu.memory_space<vmem>>, vector<16xf32>,
          %get3A_135 = arith.index_cast %scan3A_117 : i32 to index
          %get3A_136 = arith.constant 32 : index
          %get3A_137 = tpu.vector_load %arg15[%get3A_135, %get3A_136] {strides = array<i32>} : memref<40x256xf32, #tpu.memory_space<vmem>>, vector<16xf32>,
          %mul3A_138 = arith.mulf %get3A_134, %get3A_137 : vector<16xf32>
          %add3A_139 = arith.addf %add3A_131, %mul3A_138 : vector<16xf32>
          %get3A_140 = arith.index_cast %scan3A_117 : i32 to index
          %get3A_141 = arith.constant 48 : index
          %get3A_142 = tpu.vector_load %arg12[%get3A_140, %get3A_141] {strides = array<i32>} : memref<40x256xf32, #tpu.memory_space<vmem>>, vector<16xf32>,
          %get3A_143 = arith.index_cast %scan3A_117 : i32 to index
          %get3A_144 = arith.constant 48 : index
          %get3A_145 = tpu.vector_load %arg15[%get3A_143, %get3A_144] {strides = array<i32>} : memref<40x256xf32, #tpu.memory_space<vmem>>, vector<16xf32>,
          %mul3A_146 = arith.mulf %get3A_142, %get3A_145 : vector<16xf32>
          %add3A_147 = arith.addf %add3A_139, %mul3A_146 : vector<16xf32>
          %get3A_148 = arith.index_cast %scan3A_117 : i32 to index
          %get3A_149 = arith.constant 64 : index
          %get3A_150 = tpu.vector_load %arg12[%get3A_148, %get3A_149] {strides = array<i32>} : memref<40x256xf32, #tpu.memory_space<vmem>>, vector<16xf32>,
          %get3A_151 = arith.index_cast %scan3A_117 : i32 to index
          %get3A_152 = arith.constant 64 : index
          %get3A_153 = tpu.vector_load %arg15[%get3A_151, %get3A_152] {strides = array<i32>} : memref<40x256xf32, #tpu.memory_space<vmem>>, vector<16xf32>,
          %mul3A_154 = arith.mulf %get3A_150, %get3A_153 : vector<16xf32>
          %add3A_155 = arith.addf %add3A_147, %mul3A_154 : vector<16xf32>
          %get3A_156 = arith.index_cast %scan3A_117 : i32 to index
          %get3A_157 = arith.constant 80 : index
          %get3A_158 = tpu.vector_load %arg12[%get3A_156, %get3A_157] {strides = array<i32>} : memref<40x256xf32, #tpu.memory_space<vmem>>, vector<16xf32>,
          %get3A_159 = arith.index_cast %scan3A_117 : i32 to index
          %get3A_160 = arith.constant 80 : index
          %get3A_161 = tpu.vector_load %arg15[%get3A_159, %get3A_160] {strides = array<i32>} : memref<40x256xf32, #tpu.memory_space<vmem>>, vector<16xf32>,
          %mul3A_162 = arith.mulf %get3A_158, %get3A_161 : vector<16xf32>
          %add3A_163 = arith.addf %add3A_155, %mul3A_162 : vector<16xf32>
          %get3A_164 = arith.index_cast %scan3A_117 : i32 to index
          %get3A_165 = arith.constant 96 : index
          %get3A_166 = tpu.vector_load %arg12[%get3A_164, %get3A_165] {strides = array<i32>} : memref<40x256xf32, #tpu.memory_space<vmem>>, vector<16xf32>,
          %get3A_167 = arith.index_cast %scan3A_117 : i32 to index
          %get3A_168 = arith.constant 96 : index
          %get3A_169 = tpu.vector_load %arg15[%get3A_167, %get3A_168] {strides = array<i32>} : memref<40x256xf32, #tpu.memory_space<vmem>>, vector<16xf32>,
          %mul3A_170 = arith.mulf %get3A_166, %get3A_169 : vector<16xf32>
          %add3A_171 = arith.addf %add3A_163, %mul3A_170 : vector<16xf32>
          %get3A_172 = arith.index_cast %scan3A_117 : i32 to index
          %get3A_173 = arith.constant 112 : index
          %get3A_174 = tpu.vector_load %arg12[%get3A_172, %get3A_173] {strides = array<i32>} : memref<40x256xf32, #tpu.memory_space<vmem>>, vector<16xf32>,
          %get3A_175 = arith.index_cast %scan3A_117 : i32 to index
          %get3A_176 = arith.constant 112 : index
          %get3A_177 = tpu.vector_load %arg15[%get3A_175, %get3A_176] {strides = array<i32>} : memref<40x256xf32, #tpu.memory_space<vmem>>, vector<16xf32>,
          %mul3A_178 = arith.mulf %get3A_174, %get3A_177 : vector<16xf32>
          %add3A_179 = arith.addf %add3A_171, %mul3A_178 : vector<16xf32>
          %get3A_180 = arith.index_cast %scan3A_117 : i32 to index
          %get3A_181 = arith.constant 128 : index
          %get3A_182 = tpu.vector_load %arg12[%get3A_180, %get3A_181] {strides = array<i32>} : memref<40x256xf32, #tpu.memory_space<vmem>>, vector<16xf32>,
          %get3A_183 = arith.index_cast %scan3A_117 : i32 to index
          %get3A_184 = arith.constant 128 : index
          %get3A_185 = tpu.vector_load %arg15[%get3A_183, %get3A_184] {strides = array<i32>} : memref<40x256xf32, #tpu.memory_space<vmem>>, vector<16xf32>,
          %mul3A_186 = arith.mulf %get3A_182, %get3A_185 : vector<16xf32>
          %add3A_187 = arith.addf %add3A_179, %mul3A_186 : vector<16xf32>
          %get3A_188 = arith.index_cast %scan3A_117 : i32 to index
          %get3A_189 = arith.constant 144 : index
          %get3A_190 = tpu.vector_load %arg12[%get3A_188, %get3A_189] {strides = array<i32>} : memref<40x256xf32, #tpu.memory_space<vmem>>, vector<16xf32>,
          %get3A_191 = arith.index_cast %scan3A_117 : i32 to index
          %get3A_192 = arith.constant 144 : index
          %get3A_193 = tpu.vector_load %arg15[%get3A_191, %get3A_192] {strides = array<i32>} : memref<40x256xf32, #tpu.memory_space<vmem>>, vector<16xf32>,
          %mul3A_194 = arith.mulf %get3A_190, %get3A_193 : vector<16xf32>
          %add3A_195 = arith.addf %add3A_187, %mul3A_194 : vector<16xf32>
          %get3A_196 = arith.index_cast %scan3A_117 : i32 to index
          %get3A_197 = arith.constant 160 : index
          %get3A_198 = tpu.vector_load %arg12[%get3A_196, %get3A_197] {strides = array<i32>} : memref<40x256xf32, #tpu.memory_space<vmem>>, vector<16xf32>,
          %get3A_199 = arith.index_cast %scan3A_117 : i32 to index
          %get3A_200 = arith.constant 160 : index
          %get3A_201 = tpu.vector_load %arg15[%get3A_199, %get3A_200] {strides = array<i32>} : memref<40x256xf32, #tpu.memory_space<vmem>>, vector<16xf32>,
          %mul3A_202 = arith.mulf %get3A_198, %get3A_201 : vector<16xf32>
          %add3A_203 = arith.addf %add3A_195, %mul3A_202 : vector<16xf32>
          %get3A_204 = arith.index_cast %scan3A_117 : i32 to index
          %get3A_205 = arith.constant 176 : index
          %get3A_206 = tpu.vector_load %arg12[%get3A_204, %get3A_205] {strides = array<i32>} : memref<40x256xf32, #tpu.memory_space<vmem>>, vector<16xf32>,
          %get3A_207 = arith.index_cast %scan3A_117 : i32 to index
          %get3A_208 = arith.constant 176 : index
          %get3A_209 = tpu.vector_load %arg15[%get3A_207, %get3A_208] {strides = array<i32>} : memref<40x256xf32, #tpu.memory_space<vmem>>, vector<16xf32>,
          %mul3A_210 = arith.mulf %get3A_206, %get3A_209 : vector<16xf32>
          %add3A_211 = arith.addf %add3A_203, %mul3A_210 : vector<16xf32>
          %get3A_212 = arith.index_cast %scan3A_117 : i32 to index
          %get3A_213 = arith.constant 192 : index
          %get3A_214 = tpu.vector_load %arg12[%get3A_212, %get3A_213] {strides = array<i32>} : memref<40x256xf32, #tpu.memory_space<vmem>>, vector<16xf32>,
          %get3A_215 = arith.index_cast %scan3A_117 : i32 to index
          %get3A_216 = arith.constant 192 : index
          %get3A_217 = tpu.vector_load %arg15[%get3A_215, %get3A_216] {strides = array<i32>} : memref<40x256xf32, #tpu.memory_space<vmem>>, vector<16xf32>,
          %mul3A_218 = arith.mulf %get3A_214, %get3A_217 : vector<16xf32>
          %add3A_219 = arith.addf %add3A_211, %mul3A_218 : vector<16xf32>
          %get3A_220 = arith.index_cast %scan3A_117 : i32 to index
          %get3A_221 = arith.constant 208 : index
          %get3A_222 = tpu.vector_load %arg12[%get3A_220, %get3A_221] {strides = array<i32>} : memref<40x256xf32, #tpu.memory_space<vmem>>, vector<16xf32>,
          %get3A_223 = arith.index_cast %scan3A_117 : i32 to index
          %get3A_224 = arith.constant 208 : index
          %get3A_225 = tpu.vector_load %arg15[%get3A_223, %get3A_224] {strides = array<i32>} : memref<40x256xf32, #tpu.memory_space<vmem>>, vector<16xf32>,
          %mul3A_226 = arith.mulf %get3A_222, %get3A_225 : vector<16xf32>
          %add3A_227 = arith.addf %add3A_219, %mul3A_226 : vector<16xf32>
          %get3A_228 = arith.index_cast %scan3A_117 : i32 to index
          %get3A_229 = arith.constant 224 : index
          %get3A_230 = tpu.vector_load %arg12[%get3A_228, %get3A_229] {strides = array<i32>} : memref<40x256xf32, #tpu.memory_space<vmem>>, vector<16xf32>,
          %get3A_231 = arith.index_cast %scan3A_117 : i32 to index
          %get3A_232 = arith.constant 224 : index
          %get3A_233 = tpu.vector_load %arg15[%get3A_231, %get3A_232] {strides = array<i32>} : memref<40x256xf32, #tpu.memory_space<vmem>>, vector<16xf32>,
          %mul3A_234 = arith.mulf %get3A_230, %get3A_233 : vector<16xf32>
          %add3A_235 = arith.addf %add3A_227, %mul3A_234 : vector<16xf32>
          %get3A_236 = arith.index_cast %scan3A_117 : i32 to index
          %get3A_237 = arith.constant 240 : index
          %get3A_238 = tpu.vector_load %arg12[%get3A_236, %get3A_237] {strides = array<i32>} : memref<40x256xf32, #tpu.memory_space<vmem>>, vector<16xf32>,
          %get3A_239 = arith.index_cast %scan3A_117 : i32 to index
          %get3A_240 = arith.constant 240 : index
          %get3A_241 = tpu.vector_load %arg15[%get3A_239, %get3A_240] {strides = array<i32>} : memref<40x256xf32, #tpu.memory_space<vmem>>, vector<16xf32>,
          %mul3A_242 = arith.mulf %get3A_238, %get3A_241 : vector<16xf32>
          %add3A_243 = arith.addf %add3A_235, %mul3A_242 : vector<16xf32>
          %add3A_244 = arith.addi %mul3A_110, %scan3A_117 : i32
          %broadcast_in_dim3A_245 = vector.broadcast %add3A_244 : i32 to vector<16xi32>
          tpu.vector_store_idx %arg9[%broadcast_in_dim3A_245], %add3A_243 {add = true} : memref<5008xf32, #tpu.memory_space<vmem>>[vector<16xi32>], vector<16xf32>,
          %scan3A_246 = arith.constant 1 : i32
          %scan3A_247 = arith.addi %scan3A_117, %scan3A_246 : i32
          %get3A_248 = arith.index_cast %scan3A_247 : i32 to index
          %get3A_249 = arith.constant 0 : index
          %get3A_250 = tpu.vector_load %arg12[%get3A_248, %get3A_249] {strides = array<i32>} : memref<40x256xf32, #tpu.memory_space<vmem>>, vector<16xf32>,
          %get3A_251 = arith.index_cast %scan3A_247 : i32 to index
          %get3A_252 = arith.constant 0 : index
          %get3A_253 = tpu.vector_load %arg15[%get3A_251, %get3A_252] {strides = array<i32>} : memref<40x256xf32, #tpu.memory_space<vmem>>, vector<16xf32>,
          %mul3A_254 = arith.mulf %get3A_250, %get3A_253 : vector<16xf32>
          %get3A_255 = arith.index_cast %scan3A_247 : i32 to index
          %get3A_256 = arith.constant 16 : index
          %get3A_257 = tpu.vector_load %arg12[%get3A_255, %get3A_256] {strides = array<i32>} : memref<40x256xf32, #tpu.memory_space<vmem>>, vector<16xf32>,
          %get3A_258 = arith.index_cast %scan3A_247 : i32 to index
          %get3A_259 = arith.constant 16 : index
          %get3A_260 = tpu.vector_load %arg15[%get3A_258, %get3A_259] {strides = array<i32>} : memref<40x256xf32, #tpu.memory_space<vmem>>, vector<16xf32>,
          %mul3A_261 = arith.mulf %get3A_257, %get3A_260 : vector<16xf32>
          %add3A_262 = arith.addf %mul3A_254, %mul3A_261 : vector<16xf32>
          %get3A_263 = arith.index_cast %scan3A_247 : i32 to index
          %get3A_264 = arith.constant 32 : index
          %get3A_265 = tpu.vector_load %arg12[%get3A_263, %get3A_264] {strides = array<i32>} : memref<40x256xf32, #tpu.memory_space<vmem>>, vector<16xf32>,
          %get3A_266 = arith.index_cast %scan3A_247 : i32 to index
          %get3A_267 = arith.constant 32 : index
          %get3A_268 = tpu.vector_load %arg15[%get3A_266, %get3A_267] {strides = array<i32>} : memref<40x256xf32, #tpu.memory_space<vmem>>, vector<16xf32>,
          %mul3A_269 = arith.mulf %get3A_265, %get3A_268 : vector<16xf32>
          %add3A_270 = arith.addf %add3A_262, %mul3A_269 : vector<16xf32>
          %get3A_271 = arith.index_cast %scan3A_247 : i32 to index
          %get3A_272 = arith.constant 48 : index
          %get3A_273 = tpu.vector_load %arg12[%get3A_271, %get3A_272] {strides = array<i32>} : memref<40x256xf32, #tpu.memory_space<vmem>>, vector<16xf32>,
          %get3A_274 = arith.index_cast %scan3A_247 : i32 to index
          %get3A_275 = arith.constant 48 : index
          %get3A_276 = tpu.vector_load %arg15[%get3A_274, %get3A_275] {strides = array<i32>} : memref<40x256xf32, #tpu.memory_space<vmem>>, vector<16xf32>,
          %mul3A_277 = arith.mulf %get3A_273, %get3A_276 : vector<16xf32>
          %add3A_278 = arith.addf %add3A_270, %mul3A_277 : vector<16xf32>
          %get3A_279 = arith.index_cast %scan3A_247 : i32 to index
          %get3A_280 = arith.constant 64 : index
          %get3A_281 = tpu.vector_load %arg12[%get3A_279, %get3A_280] {strides = array<i32>} : memref<40x256xf32, #tpu.memory_space<vmem>>, vector<16xf32>,
          %get3A_282 = arith.index_cast %scan3A_247 : i32 to index
          %get3A_283 = arith.constant 64 : index
          %get3A_284 = tpu.vector_load %arg15[%get3A_282, %get3A_283] {strides = array<i32>} : memref<40x256xf32, #tpu.memory_space<vmem>>, vector<16xf32>,
          %mul3A_285 = arith.mulf %get3A_281, %get3A_284 : vector<16xf32>
          %add3A_286 = arith.addf %add3A_278, %mul3A_285 : vector<16xf32>
          %get3A_287 = arith.index_cast %scan3A_247 : i32 to index
          %get3A_288 = arith.constant 80 : index
          %get3A_289 = tpu.vector_load %arg12[%get3A_287, %get3A_288] {strides = array<i32>} : memref<40x256xf32, #tpu.memory_space<vmem>>, vector<16xf32>,
          %get3A_290 = arith.index_cast %scan3A_247 : i32 to index
          %get3A_291 = arith.constant 80 : index
          %get3A_292 = tpu.vector_load %arg15[%get3A_290, %get3A_291] {strides = array<i32>} : memref<40x256xf32, #tpu.memory_space<vmem>>, vector<16xf32>,
          %mul3A_293 = arith.mulf %get3A_289, %get3A_292 : vector<16xf32>
          %add3A_294 = arith.addf %add3A_286, %mul3A_293 : vector<16xf32>
          %get3A_295 = arith.index_cast %scan3A_247 : i32 to index
          %get3A_296 = arith.constant 96 : index
          %get3A_297 = tpu.vector_load %arg12[%get3A_295, %get3A_296] {strides = array<i32>} : memref<40x256xf32, #tpu.memory_space<vmem>>, vector<16xf32>,
          %get3A_298 = arith.index_cast %scan3A_247 : i32 to index
          %get3A_299 = arith.constant 96 : index
          %get3A_300 = tpu.vector_load %arg15[%get3A_298, %get3A_299] {strides = array<i32>} : memref<40x256xf32, #tpu.memory_space<vmem>>, vector<16xf32>,
          %mul3A_301 = arith.mulf %get3A_297, %get3A_300 : vector<16xf32>
          %add3A_302 = arith.addf %add3A_294, %mul3A_301 : vector<16xf32>
          %get3A_303 = arith.index_cast %scan3A_247 : i32 to index
          %get3A_304 = arith.constant 112 : index
          %get3A_305 = tpu.vector_load %arg12[%get3A_303, %get3A_304] {strides = array<i32>} : memref<40x256xf32, #tpu.memory_space<vmem>>, vector<16xf32>,
          %get3A_306 = arith.index_cast %scan3A_247 : i32 to index
          %get3A_307 = arith.constant 112 : index
          %get3A_308 = tpu.vector_load %arg15[%get3A_306, %get3A_307] {strides = array<i32>} : memref<40x256xf32, #tpu.memory_space<vmem>>, vector<16xf32>,
          %mul3A_309 = arith.mulf %get3A_305, %get3A_308 : vector<16xf32>
          %add3A_310 = arith.addf %add3A_302, %mul3A_309 : vector<16xf32>
          %get3A_311 = arith.index_cast %scan3A_247 : i32 to index
          %get3A_312 = arith.constant 128 : index
          %get3A_313 = tpu.vector_load %arg12[%get3A_311, %get3A_312] {strides = array<i32>} : memref<40x256xf32, #tpu.memory_space<vmem>>, vector<16xf32>,
          %get3A_314 = arith.index_cast %scan3A_247 : i32 to index
          %get3A_315 = arith.constant 128 : index
          %get3A_316 = tpu.vector_load %arg15[%get3A_314, %get3A_315] {strides = array<i32>} : memref<40x256xf32, #tpu.memory_space<vmem>>, vector<16xf32>,
          %mul3A_317 = arith.mulf %get3A_313, %get3A_316 : vector<16xf32>
          %add3A_318 = arith.addf %add3A_310, %mul3A_317 : vector<16xf32>
          %get3A_319 = arith.index_cast %scan3A_247 : i32 to index
          %get3A_320 = arith.constant 144 : index
          %get3A_321 = tpu.vector_load %arg12[%get3A_319, %get3A_320] {strides = array<i32>} : memref<40x256xf32, #tpu.memory_space<vmem>>, vector<16xf32>,
          %get3A_322 = arith.index_cast %scan3A_247 : i32 to index
          %get3A_323 = arith.constant 144 : index
          %get3A_324 = tpu.vector_load %arg15[%get3A_322, %get3A_323] {strides = array<i32>} : memref<40x256xf32, #tpu.memory_space<vmem>>, vector<16xf32>,
          %mul3A_325 = arith.mulf %get3A_321, %get3A_324 : vector<16xf32>
          %add3A_326 = arith.addf %add3A_318, %mul3A_325 : vector<16xf32>
          %get3A_327 = arith.index_cast %scan3A_247 : i32 to index
          %get3A_328 = arith.constant 160 : index
          %get3A_329 = tpu.vector_load %arg12[%get3A_327, %get3A_328] {strides = array<i32>} : memref<40x256xf32, #tpu.memory_space<vmem>>, vector<16xf32>,
          %get3A_330 = arith.index_cast %scan3A_247 : i32 to index
          %get3A_331 = arith.constant 160 : index
          %get3A_332 = tpu.vector_load %arg15[%get3A_330, %get3A_331] {strides = array<i32>} : memref<40x256xf32, #tpu.memory_space<vmem>>, vector<16xf32>,
          %mul3A_333 = arith.mulf %get3A_329, %get3A_332 : vector<16xf32>
          %add3A_334 = arith.addf %add3A_326, %mul3A_333 : vector<16xf32>
          %get3A_335 = arith.index_cast %scan3A_247 : i32 to index
          %get3A_336 = arith.constant 176 : index
          %get3A_337 = tpu.vector_load %arg12[%get3A_335, %get3A_336] {strides = array<i32>} : memref<40x256xf32, #tpu.memory_space<vmem>>, vector<16xf32>,
          %get3A_338 = arith.index_cast %scan3A_247 : i32 to index
          %get3A_339 = arith.constant 176 : index
          %get3A_340 = tpu.vector_load %arg15[%get3A_338, %get3A_339] {strides = array<i32>} : memref<40x256xf32, #tpu.memory_space<vmem>>, vector<16xf32>,
          %mul3A_341 = arith.mulf %get3A_337, %get3A_340 : vector<16xf32>
          %add3A_342 = arith.addf %add3A_334, %mul3A_341 : vector<16xf32>
          %get3A_343 = arith.index_cast %scan3A_247 : i32 to index
          %get3A_344 = arith.constant 192 : index
          %get3A_345 = tpu.vector_load %arg12[%get3A_343, %get3A_344] {strides = array<i32>} : memref<40x256xf32, #tpu.memory_space<vmem>>, vector<16xf32>,
          %get3A_346 = arith.index_cast %scan3A_247 : i32 to index
          %get3A_347 = arith.constant 192 : index
          %get3A_348 = tpu.vector_load %arg15[%get3A_346, %get3A_347] {strides = array<i32>} : memref<40x256xf32, #tpu.memory_space<vmem>>, vector<16xf32>,
          %mul3A_349 = arith.mulf %get3A_345, %get3A_348 : vector<16xf32>
          %add3A_350 = arith.addf %add3A_342, %mul3A_349 : vector<16xf32>
          %get3A_351 = arith.index_cast %scan3A_247 : i32 to index
          %get3A_352 = arith.constant 208 : index
          %get3A_353 = tpu.vector_load %arg12[%get3A_351, %get3A_352] {strides = array<i32>} : memref<40x256xf32, #tpu.memory_space<vmem>>, vector<16xf32>,
          %get3A_354 = arith.index_cast %scan3A_247 : i32 to index
          %get3A_355 = arith.constant 208 : index
          %get3A_356 = tpu.vector_load %arg15[%get3A_354, %get3A_355] {strides = array<i32>} : memref<40x256xf32, #tpu.memory_space<vmem>>, vector<16xf32>,
          %mul3A_357 = arith.mulf %get3A_353, %get3A_356 : vector<16xf32>
          %add3A_358 = arith.addf %add3A_350, %mul3A_357 : vector<16xf32>
          %get3A_359 = arith.index_cast %scan3A_247 : i32 to index
          %get3A_360 = arith.constant 224 : index
          %get3A_361 = tpu.vector_load %arg12[%get3A_359, %get3A_360] {strides = array<i32>} : memref<40x256xf32, #tpu.memory_space<vmem>>, vector<16xf32>,
          %get3A_362 = arith.index_cast %scan3A_247 : i32 to index
          %get3A_363 = arith.constant 224 : index
          %get3A_364 = tpu.vector_load %arg15[%get3A_362, %get3A_363] {strides = array<i32>} : memref<40x256xf32, #tpu.memory_space<vmem>>, vector<16xf32>,
          %mul3A_365 = arith.mulf %get3A_361, %get3A_364 : vector<16xf32>
          %add3A_366 = arith.addf %add3A_358, %mul3A_365 : vector<16xf32>
          %get3A_367 = arith.index_cast %scan3A_247 : i32 to index
          %get3A_368 = arith.constant 240 : index
          %get3A_369 = tpu.vector_load %arg12[%get3A_367, %get3A_368] {strides = array<i32>} : memref<40x256xf32, #tpu.memory_space<vmem>>, vector<16xf32>,
          %get3A_370 = arith.index_cast %scan3A_247 : i32 to index
          %get3A_371 = arith.constant 240 : index
          %get3A_372 = tpu.vector_load %arg15[%get3A_370, %get3A_371] {strides = array<i32>} : memref<40x256xf32, #tpu.memory_space<vmem>>, vector<16xf32>,
          %mul3A_373 = arith.mulf %get3A_369, %get3A_372 : vector<16xf32>
          %add3A_374 = arith.addf %add3A_366, %mul3A_373 : vector<16xf32>
          %add3A_375 = arith.addi %mul3A_110, %scan3A_247 : i32
          %broadcast_in_dim3A_376 = vector.broadcast %add3A_375 : i32 to vector<16xi32>
          tpu.vector_store_idx %arg9[%broadcast_in_dim3A_376], %add3A_374 {add = true} : memref<5008xf32, #tpu.memory_space<vmem>>[vector<16xi32>], vector<16xf32>,
        }
        %scan3A_116 = arith.constant 40 : i32
      } else {
      }
    }
    %scan3A_46 = arith.constant 42 : i32
    "tpu.region"() ({
      %run_scoped3A = tpu.sem_alloc : memref<!tpu.dma_semaphore, #tpu.memory_space<semaphore_mem>>
      %dma_start3A_47 = arith.constant 0 : i32
      %dma_start3A_48 = tpu.memref_slice %arg9[%dma_start3A_47] : memref<5008xf32, #tpu.memory_space<vmem>> -> memref<5000xf32, #tpu.memory_space<vmem>>
      %dma_start3A_49 = tpu.memref_slice %arg6[%mul3A_2] : memref<160000xf32, #tpu.memory_space<hbm>> -> memref<5000xf32, #tpu.memory_space<hbm>>
      %dma_start3A_50 = tpu.memref_slice %arg6[%mul3A_2] : memref<160000xf32, #tpu.memory_space<hbm>> -> memref<5000xf32, #tpu.memory_space<hbm>>
      %dma_start3A_51 = arith.constant 0 : i32
      %dma_start3A_52 = tpu.memref_slice %arg9[%dma_start3A_51] : memref<5008xf32, #tpu.memory_space<vmem>> -> memref<5000xf32, #tpu.memory_space<vmem>>
      tpu.enqueue_dma source(%dma_start3A_52 : memref<5000xf32, #tpu.memory_space<vmem>>) target(%dma_start3A_50 : memref<5000xf32, #tpu.memory_space<hbm>>) target_semaphore(%run_scoped3A : memref<!tpu.dma_semaphore, #tpu.memory_space<semaphore_mem>>)
      %dma_wait3A = arith.constant 0 : i32
      %dma_wait3A_53 = tpu.memref_slice %arg9[%dma_wait3A] : memref<5008xf32, #tpu.memory_space<vmem>> -> memref<5000xf32, #tpu.memory_space<vmem>>
      %dma_wait3A_54 = tpu.memref_slice %arg6[%mul3A_2] : memref<160000xf32, #tpu.memory_space<hbm>> -> memref<5000xf32, #tpu.memory_space<hbm>>
      %dma_wait3A_55 = tpu.memref_slice %arg6[%mul3A_2] : memref<160000xf32, #tpu.memory_space<hbm>> -> memref<5000xf32, #tpu.memory_space<hbm>>
      %dma_wait3A_56 = arith.constant 0 : i32
      %dma_wait3A_57 = tpu.memref_slice %arg9[%dma_wait3A_56] : memref<5008xf32, #tpu.memory_space<vmem>> -> memref<5000xf32, #tpu.memory_space<vmem>>
      tpu.wait_dma2 semaphore(%run_scoped3A : memref<!tpu.dma_semaphore, #tpu.memory_space<semaphore_mem>>) src(%dma_wait3A_57 : memref<5000xf32, #tpu.memory_space<vmem>>) dst(%dma_wait3A_55 : memref<5000xf32, #tpu.memory_space<hbm>>)
      tpu.yield
    }) : () -> ()
    return
  }
}

</mosaic_0001>

<sc_bundles>
// kernel: kernel.3.cloned.1.call-start
scs
__scs_entry_jumppad:
0x0: {  	(pc) =	sbr.rel $0x88, $3  }
0x1: {  	(tag) =	ssettag $0x0;
	lr =	simm.s32 $0x1  }
0x2: {  	[smem:$0x3F9E] =	sst lr;
	_ =	strace $0xD0000000  }
0x3: {  	_ = 	snop  }
0x4: {  	_ = 	snop  }
0x5: {  	_ = 	snop  }
0x6: {  	_ = 	snop  }
0x7: {  	_ = 	snop  }
__scs_overlays_trampoline_lowered:
0x8: {  	[smem:$0x3FAD] =	sst s0  }
0x9: {  	[smem:$0x3FAE] =	sst s1  }
0xa: {  	[smem:$0x3FAF] =	sst s2  }
0xb: {  	[smem:$0x3FB0] =	sst s3  }
0xc: {  	[smem:$0x3FB1] =	sst s4  }
0xd: {  	[smem:$0x3FB2] =	sst s5  }
0xe: {  	[smem:$0x3FB3] =	sst s6  }
0xf: {  	[smem:$0x3FB4] =	sst s7  }
0x10: {  	[smem:$0x3FB5] =	sst s8  }
0x11: {  	[smem:$0x3FB6] =	sst s9;
	s0 =	simm.s32 @!p0 $0x0  }
0x12: {  	s1 =	sld [smem:$0x3F9C];
	s0 =	simm.s32 @p0 $0x1  }
0x13: {  	[smem:$0x3FB7] =	sst s0;
	s0 =	simm.s32 @!p1 $0x0  }
0x14: {  	s2 =	sld [smem:$0x3F9B];
	s0 =	simm.s32 @p1 $0x1  }
0x15: {  	[smem:$0x3FB8] =	sst s0;
	s0 =	simm.s32 @!p2 $0x0  }
0x16: {  	s3 =	sld [smem:$0x3FDB];
	s0 =	simm.s32 @p2 $0x1  }
0x17: {  	s4 =	simm.s32 $0x1BF5;
	[smem:$0x3FBA] =	sst s0  }
0x18: {  	s0 =	sld [smem:$0x3F9D];
	_ =	swait.ge [sflag:s4], $0x0  }
0x19: {  	s7 =	sld [smem:$0x3F9E]  }
0x1a: {  	s8 =	sadd.s32 $0xFFFFE003, lr  }
0x1b: {  	s9 =	sadd.s32 $0xFFFFFEF7, lr;
	s5 =	simm.s32 $0xFFFFFFFF;
	p2 =	slt.u32 s8, $0xFFFFF086  }
0x1c: {  	p1 =	slt.u32 s9, $0xF7A;
	s5 =	simm.s32 @!p2 $0x0  }
0x1d: {  	s5 =	simm.s32 @p1 $0x1;
	p0 =	seq.s32 s7, s2  }
0x1e: {  	s7 =	smul.u32 @!p0 $0xF7A, s2;
	p2 =	seq.s32 @!p0 s5, $0x0  }
0x1f: {  	s9 =	smul.u32 $0xF7A, s1;
	s8 =	simm.s32 @!p0 $0x1BF5;
	p2 =	por !p2, p0  }
0x20: {  	[sflag:s8] =	ssyncset.s32 @!p0 $0xFFFFF086;
	s6 =	sadd.s32 @!p0 s3, s7;
	s7 =	simm.s32 @!p0 $0x108  }
0x21: {  	s3 =	sadd.s32 s3, s9;
	s6 =	sadd.s32 @!p0 $0x88, s6;
	s7 =	simm.s32 @p2 $0x1082  }
0x22: {  	[simem:s7], [sflag:s8] =	dma.local @!p0 [hbm:s6], $0xF7A  }
0x23: {  	s9 =	sor.u32 $0xD0000000, s2;
	s6 =	simm.s32 $0x108;
	_ =	swait.ge @!p0 [sflag:s8], $0x0  }
0x24: {  	s3 =	sadd.s32 $0x88, s3;
	s6 =	simm.s32 @!p1 $0x1082;
	[sflag:s4] =	ssyncset.s32 $0xFFFFF086  }
0x25: {  	[simem:s6], [sflag:s4] =	dma.local [hbm:s3], $0xF7A  }
0x26: {  	[smem:$0x3F9E] =	sst s1;
	(tag) =	ssettag s2;
	_ =	strace s9  }
0x27: {  	s1 =	sld [smem:$0x3FAE]  }
0x28: {  	s2 =	sld [smem:$0x3FAF]  }
0x29: {  	s4 =	sld [smem:$0x3FB1]  }
0x2a: {  	p0 =	seq.s32 s5, $0x0;
	s5 =	sld [smem:$0x3FB2]  }
0x2b: {  	s6 =	sld [smem:$0x3FB3]  }
0x2c: {  	s7 =	sld [smem:$0x3FB4]  }
0x2d: {  	s3 =	simm.s32 $0x108;
	s8 =	sld [smem:$0x3FB5]  }
0x2e: {  	s3 =	simm.s32 @!p0 $0x1082;
	s9 =	sld [smem:$0x3FB6]  }
0x2f: {  	lr =	sadd.s32 s0, s3;
	s0 =	sld [smem:$0x3FAD]  }
0x30: {  	s3 =	sld [smem:$0x3FB0]  }
0x31: {  	[smem:$0x3FB9] =	sst s10  }
0x32: {  	s10 =	sld [smem:$0x3FB7];
	_ =	sdelay $0x3  }
0x33: {  	p0 =	seq.s32 s10, $0x1;
	s10 =	sld [smem:$0x3FB9];
	_ =	sdelay $0x3  }
0x34: {  	[smem:$0x3FB9] =	sst s10  }
0x35: {  	s10 =	sld [smem:$0x3FB8];
	_ =	sdelay $0x3  }
0x36: {  	p1 =	seq.s32 s10, $0x1;
	s10 =	sld [smem:$0x3FB9];
	_ =	sdelay $0x3  }
0x37: {  	[smem:$0x3FB9] =	sst s10  }
0x38: {  	s10 =	sld [smem:$0x3FBA]  }
0x39: {  	_ = 	snop;
	(pc) =	sbr.ind lr, $3  }
0x3a: {  	_ = 	snop  }
0x3b: {  	_ = 	snop  }
0x3c: {  	p2 =	seq.s32 s10, $0x1;
	s10 =	sld [smem:$0x3FB9]  }
0x3d: {  	_ =	shalt  }
0x3e: {  	_ =	shalt  }
0x3f: {  	_ =	shalt  }
0x40: {  	_ =	shalt  }
0x41: {  	_ =	shalt  }
0x42: {  	_ =	shalt  }
0x43: {  	_ =	shalt  }
0x44: {  	_ =	shalt  }
0x45: {  	_ =	shalt  }
0x46: {  	_ =	shalt  }
0x47: {  	_ =	shalt  }
0x48: {  	_ =	shalt  }
0x49: {  	_ =	shalt  }
0x4a: {  	_ =	shalt  }
0x4b: {  	_ =	shalt  }
0x4c: {  	_ =	shalt  }
0x4d: {  	_ =	shalt  }
0x4e: {  	_ =	shalt  }
0x4f: {  	_ =	shalt  }
0x50: {  	_ =	shalt  }
0x51: {  	_ =	shalt  }
0x52: {  	_ =	shalt  }
0x53: {  	_ =	shalt  }
0x54: {  	_ =	shalt  }
0x55: {  	_ =	shalt  }
0x56: {  	_ =	shalt  }
0x57: {  	_ =	shalt  }
0x58: {  	_ =	shalt  }
0x59: {  	_ =	shalt  }
0x5a: {  	_ =	shalt  }
0x5b: {  	_ =	shalt  }
0x5c: {  	_ =	shalt  }
0x5d: {  	_ =	shalt  }
0x5e: {  	_ =	shalt  }
0x5f: {  	_ =	shalt  }
0x60: {  	_ =	shalt  }
0x61: {  	_ =	shalt  }
0x62: {  	_ =	shalt  }
0x63: {  	_ =	shalt  }
0x64: {  	_ =	shalt  }
0x65: {  	_ =	shalt  }
0x66: {  	_ =	shalt  }
0x67: {  	_ =	shalt  }
0x68: {  	_ =	shalt  }
0x69: {  	_ =	shalt  }
0x6a: {  	_ =	shalt  }
0x6b: {  	_ =	shalt  }
0x6c: {  	_ =	shalt  }
0x6d: {  	_ =	shalt  }
0x6e: {  	_ =	shalt  }
0x6f: {  	_ =	shalt  }
0x70: {  	_ =	shalt  }
0x71: {  	_ =	shalt  }
0x72: {  	_ =	shalt  }
0x73: {  	_ =	shalt  }
0x74: {  	_ =	shalt  }
0x75: {  	_ =	shalt  }
0x76: {  	_ =	shalt  }
0x77: {  	_ =	shalt  }
0x78: {  	_ =	shalt  }
0x79: {  	_ =	shalt  }
0x7a: {  	_ =	shalt  }
0x7b: {  	_ =	shalt  }
0x7c: {  	_ =	shalt  }
0x7d: {  	_ =	shalt  }
0x7e: {  	_ =	shalt  }
0x7f: {  	_ =	shalt  }
0x80: {  	_ =	shalt  }
0x81: {  	_ =	shalt  }
0x82: {  	_ =	shalt  }
0x83: {  	_ =	shalt  }
0x84: {  	_ =	shalt  }
0x85: {  	_ =	shalt  }
0x86: {  	_ =	shalt  }
0x87: {  	_ =	shalt  }
.Lfunc_end0:
.L_simem_size_0:
called_computation_lowered:
.L_overlay_start_0:
0x88: {  	s2 =	sld [smem:$0x3FD9]  }
0x89: {  	s3 =	sld [smem:$0x3FFE];
	_ =	sdelay $0x1  }
0x8a: {  	s1 =	srdreg.scid  }
0x8b: {  	s0 =	sand.u32 $0x1, s1  }
0x8c: {  	s17 =	sshll.u32 s0, $0xA;
	s2 =	sadd.s32 s3, s2  }
0x8d: {  	s2 =	sadd.s32 s2, s17  }
0x8e: {  	[smem:$0x3FC5] =	sst s2  }
0x8f: {  	_ = 	snop  }
0x90: {  	s2 =	sld [smem:$0x3FD0];
	(tm) =	ssettm $0x1  }
0x91: {  	s18 =	sld [smem:$0x3FFB];
	_ =	sdelay $0x3  }
0x92: {  	_ =	strace s18  }
0x93: {  	s3 =	sld [smem:$0x3FFC];
	_ =	sdelay $0x3  }
0x94: {  	_ =	strace s3  }
0x95: {  	s3 =	sld [smem:$0x3FFD];
	_ =	sdelay $0x3  }
0x96: {  	_ =	strace s3  }
0x97: {  	_ =	strace $0x8FFFFFFF  }
0x98: {  	s19 =	sld [smem:$0x3FDB];
	_ =	sdelay $0x1  }
0x99: {  	s4 =	simm.s32 $_scs_section_size  }
0x9a: {  	s5 =	simm.s32 $_size__tile_overlayer_lowered;
	s6 =	simm.s32 $_tile_overlayer_lowered  }
0x9b: {  	s22 =	simm.s32 $0x1BFF;
	s21 =	sshll.u32 s6, $0x1;
	s3 =	sadd.s32 s4, s19  }
0x9c: {  	s7 =	simm.s32 $0x0;
	s20 =	sshll.u32 s5, $0x1;
	s5 =	sadd.s32 s21, s3  }
0x9d: {  	[timem:s7], [sflag:s22] =	dma.local [hbm:s5], s20  }
0x9e: {  	_ =	swait.ge [sflag:s22], s20  }
0x9f: {  	s4 =	ssub.s32 $0x0, s20;
	[sflag:s22] =	ssyncset.done $0x0  }
0xa0: {  	[sflag:s22] =	ssyncadd.s32 s4;
	_ =	sdelay $0x1  }
0xa1: {  	s23 =	simm.s32 $0x1B8B  }
0xa2: {  	_ =	swait.ge [sflag:s23], $0x1  }
0xa3: {  	[sflag:s23] =	ssyncset.done $0x0  }
0xa4: {  	s25 =	simm.s32 $0x1B8E;
	s24 =	sld [smem:$0x3FFE];
	[sflag:s23] =	ssyncadd.s32 $0xFFFFFFFF  }
0xa5: {  	s26 =	simm.s32 $execute0_lowered;
	[smem:$0x3FD2] =	sst s25  }
0xa6: {  	s5 =	sshll.u32 s26, $0x1;
	_ =	strace $0x80000046;
	[dreg:$0x1] =	wrdreg $0xFFFFFFFF  }
0xa7: {  	s28 =	simm.s32 $_size_execute0_lowered;
	s3 =	sadd.s32 s3, s5;
	[dreg:$0x0] =	wrdreg $0x0  }
0xa8: {  	s5 =	sshll.u32 s28, $0x1;
	[dreg:$0x2] =	wrdreg s3  }
0xa9: {  	[dreg:$0x3] =	wrdreg s5  }
0xaa: {  	[dreg:$0x4] =	wrdreg $0xC0  }
0xab: {  	_ =	task [dreg:s7], $0x5FFFF  }
0xac: {  	[dreg:$0x1] =	wrdreg $0xFFFFFFFF  }
0xad: {  	[dreg:$0x0] =	wrdreg $0x60  }
0xae: {  	[dreg:$0x2] =	wrdreg s24  }
0xaf: {  	[dreg:$0x3] =	wrdreg s2  }
0xb0: {  	[dreg:$0x4] =	wrdreg $0x9  }
0xb1: {  	_ =	task.clear_ibuf [dreg:s7], $0x5FFFF;
	_ =	strace $0x90000046  }
0xb2: {  	s29 =	simm.s32 $0x9;
	_ =	strace $0x80000048  }
0xb3: {  	_ =	swait.ge [sflag:s29], $0x1  }
0xb4: {  	[sflag:s29] =	ssyncadd.s32 $0xFFFFFFFF  }
0xb5: {  	_ =	strace $0x90000048  }
0xb6: {  	_ =	sfence  }
0xb7: {  	s30 =	sld [smem:$0x0];
	_ =	sdelay $0x2  }
0xb8: {  	s31 =	sshll.u32 s1, $0xD;
	s1 =	sshrl.u32 s1, $0x2  }
0xb9: {  	s3 =	sand.u32 $0x4000, s31;
	s1 =	sadd.s32 s1, s30  }
0xba: {  	s0 =	sor.u32 s3, s0;
	s1 =	sshll.u32 s1, $0x11  }
0xbb: {  	s0 =	sor.u32 s1, s0  }
0xbc: {  	s0 =	sadd.s32 $0x8F2B, s0  }
0xbd: {  	[sflag:s0] =	ssyncadd.remote.s32 $0x1  }
0xbe: {  	_ =	sfence.sel $0xFFFF  }
0xbf: {  	[dreg:$0x0] =	wrdreg $0xFFFFFFFF;
	(pc) =	sbr.abs _section_cstart, $3  }
0xc0: {  	[dreg:$0x1] =	wrdreg $0xFFFFFFFF  }
0xc1: {  	_ =	task.clear_ibuf [dreg:s7], $0x2FFFF;
	_ =	strace $0x9FFFFFFF  }
0xc2: {  	(tm) =	ssettm $0x7FFFFFFF  }
0xc3: {  	_ =	shalt  }
tec
execute0_lowered:
.L_overlay_start_1:
0x0: {  	(tag) =	ssettag $0x1  }
0x1: {  	s5 =	rddreg [dreg:$0x0]  }
0x2: {  	s1 =	srdreg.scid;
	s0 =	stileid.u32  }
0x3: {  	s7 =	rddreg [dreg:$0x1];
	s2 =	simm.s32 $0x0;
	s11 =	simm.s32 $0x28  }
0x4: {  	s12 =	simm.s32 $0x3AA0;
	s13 =	simm.s32 $0xB2A0;
	s14 =	simm.s32 $0x62A0  }
0x5: {  	s15 =	simm.s32 $0x13B0;
	s16 =	simm.s32 $0xDAA0;
	s17 =	simm.s32 $0x1  }
0x6: {  	s18 =	simm.s32 $0x2710;
	s4 =	sand.u32 $0x1, s1;
	s3 =	sshll.u32 s0, $0x1  }
0x7: {  	s19 =	simm.s32 $0x2;
	s20 =	simm.s32 $0x3;
	s3 =	sor.u32 s4, s3  }
0x8: {  	s21 =	simm.s32 $0x0;
	s1 =	rddreg [dreg:$0x2];
	s8 =	smul.u32 $0x271, s3  }
.Ltmp0:
0x9: {  	[smem:$0x7FF] =	sst s2;
	s6 =	ssub.s32 $0x2, s4;
	(pc) =	sbr.rel .LBB2_1-.Ltmp0, $4  }
0xa: {  	_ =	strace $0x80000047;
	s4 =	sadd.s32 $0x58A00, s5;
	s31 =	sshrl.u32 s6, $0x1  }
0xb: {  	s3 =	sadd.s32 $0xA800, s5;
	s10 =	ssub.s32 s6, s31;
	s9 =	sadd.s32 s8, s5  }
0xc: {  	s7 =	sadd.s32 s7, s8;
	s8 =	smax.u32 s10, $0x1;
	s10 =	simm.s32 $0x1388  }
0xd: {  	v0 =	vimm.f32 $0.0e+00;
	s5 =	sadd.s32 $0x5800, s9;
	s6 =	sadd.s32 $0x800, s9;
	s9 =	simm.s32 $0x4  }
.LBB2_12:
0xe: {  	s21 =	sadd.s32 $0x1, s21  }
0xf: {  	p0 =	sne.s32 s21, s8  }
.Ltmp1:
0x10: {  	_ = 	snop;
	(pc) =	sbr.rel @!p0 .LBB2_13-.Ltmp1, $4  }
0x11: {  	[hbm4b:s7+s2] =	stream.linear.scatter [tilespmem:s18], [sflag:$0x4], $0x1388, $0x38;
	[tilespmem:$0x12AA0] =	vst v63  }
0x12: {  	_ =	swait.ge [sflag:s9], $0x1388  }
0x13: {  	[sflag:s9] =	ssyncset.done $0x0  }
0x14: {  	[sflag:s9] =	ssyncadd.s32 $0xFFFFEC78  }
.LBB2_1:
0x15: {  	[tilespmem:s2], [sflag:$0x4] =	stream.linear.gather [hbm4b:s5+s2], $0x1388, $0x38;
	[tilespmem:$0x12AA0] =	vst v63  }
0x16: {  	_ =	swait.ge [sflag:s9], $0x1388  }
0x17: {  	[sflag:s9] =	ssyncset.done $0x0  }
0x18: {  	[sflag:s9] =	ssyncadd.s32 $0xFFFFEC78  }
0x19: {  	[tilespmem:s10], [sflag:$0x4] =	stream.linear.gather [hbm4b:s6+s2], $0x1388, $0x38;
	[tilespmem:$0x12AA0] =	vst v63  }
0x1a: {  	_ =	swait.ge [sflag:s9], $0x1388  }
0x1b: {  	[sflag:s9] =	ssyncset.done $0x0  }
0x1c: {  	s22 =	simm.s32 $0x2730;
	[sflag:s9] =	ssyncadd.s32 $0xFFFFEC78  }
0x1d: {  	[tilespmem:s22+$0xFFFFFFE0] =	vst v0  }
0x1e: {  	[tilespmem:s22+$0x10] =	vst v0  }
0x1f: {  	s23 =	simm.s32 $0x0;
	[tilespmem:s22+$0x0] =	vst v0  }
.LBB2_2:
0x20: {  	s23 =	sadd.s32 $0x4, s23  }
0x21: {  	[tilespmem:s22+$0xFFFFFFF0] =	vst v0;
	s22 =	sadd.s32 $0x40, s22;
	p0 =	slt.u32 s23, $0x134  }
.Ltmp2:
0x22: {  	[tilespmem:s22+$0xFFFFFFE0] =	vst v0;
	(pc) =	sbr.rel @p0 .LBB2_2-.Ltmp2, $3  }
0x23: {  	_ =	sdelay $0x1  }
0x24: {  	[tilespmem:s22+$0x10] =	vst v0  }
0x25: {  	[tilespmem:s22+$0x0] =	vst v0  }
0x26: {  	[tilespmem:s22+$0xFFFFFFF0] =	vst v0  }
0x27: {  	s22 =	simm.s32 $0x0;
	[tilespmem:$0x3A90] =	vst v0  }
0x28: {  	[tilespmem:s12], [sflag:$0x1] =	stream.indirect.gather [hbm4b:s3+s11], $0x100, s22, s11, $0xb8;
	[tilespmem:$0x12AA0] =	vst v63  }
0x29: {  	_ = 	snop  }
0x2a: {  	[tilespmem:s13], [sflag:$0x1] =	stream.indirect.gather [hbm4b:s4+s11], $0x100, s10, s11, $0xb8;
	[tilespmem:$0x12AA0] =	vst v63  }
0x2b: {  	_ = 	snop  }
0x2c: {  	[tilespmem:s14], [sflag:$0x2] =	stream.indirect.gather [hbm4b:s3+s11], $0x100, s11, s11, $0xb8;
	[tilespmem:$0x12AA0] =	vst v63  }
0x2d: {  	s23 =	simm.s32 $0x0  }
0x2e: {  	[tilespmem:s16], [sflag:$0x2] =	stream.indirect.gather [hbm4b:s4+s11], $0x100, s15, s11, $0xb8;
	[tilespmem:$0x12AA0] =	vst v63  }
.LBB2_4:
0x2f: {  	s24 =	smul.u32 $0x3, s23;
	_ =	sdelay $0x1  }
0x30: {  	p0 =	seq.s32 s23, $0x29;
	s24 =	sadd.s32 $0x2, s24  }
0x31: {  	s24 =	smul.u32 @!p0 $0x28, s24  }
0x32: {  	s25 =	simm.s32 @!p0 $0x28;
	s26 =	simm.s32 @!p0 $0x8AA0  }
0x33: {  	[tilespmem:s26], [sflag:$0x3] =	stream.indirect.gather @!p0 [hbm4b:s3+s25], $0x100, s24, s25, $0xb8;
	[tilespmem:$0x12AA0] =	vst v63  }
0x34: {  	s24 =	sadd.s32 @!p0 $0x1388, s24;
	s26 =	simm.s32 @!p0 $0x102A0  }
0x35: {  	[tilespmem:s26], [sflag:$0x3] =	stream.indirect.gather @!p0 [hbm4b:s4+s25], $0x100, s24, s25, $0xb8;
	[tilespmem:$0x12AA0] =	vst v63  }
0x36: {  	_ =	swait.ge [sflag:s17], $0x2800  }
0x37: {  	[sflag:s17] =	ssyncset.done $0x0  }
0x38: {  	[sflag:s17] =	ssyncadd.s32 $0xFFFFD800  }
0x39: {  	_ =	swait.ge [sflag:s17], $0x2800  }
0x3a: {  	[sflag:s17] =	ssyncset.done $0x0  }
0x3b: {  	s25 =	simm.s32 $0xB3A0;
	[sflag:s17] =	ssyncadd.s32 $0xFFFFD800  }
0x3c: {  	s26 =	simm.s32 $0x3BA0;
	v1 =	vld [tilespmem:s25+$0xFFFFFF00]  }
0x3d: {  	v2 =	vld [tilespmem:s26+$0xFFFFFF00]  }
0x3e: {  	v3 =	vld [tilespmem:s26+$0xFFFFFF10]  }
0x3f: {  	v4 =	vld [tilespmem:s25+$0xFFFFFF10]  }
0x40: {  	v5 =	vld [tilespmem:s25+$0xFFFFFF20]  }
0x41: {  	v6 =	vld [tilespmem:s26+$0xFFFFFF20]  }
0x42: {  	v7 =	vld [tilespmem:s25+$0xFFFFFF30]  }
0x43: {  	v8 =	vld [tilespmem:s26+$0xFFFFFF30]  }
0x44: {  	v1 =	vmul.f32 v1, v2;
	v2 =	vmul.f32 v4, v3;
	v3 =	vld [tilespmem:s25+$0xFFFFFF40]  }
0x45: {  	v4 =	vld [tilespmem:s26+$0xFFFFFF40]  }
0x46: {  	v1 =	vadd.f32 v2, v1;
	v2 =	vmul.f32 v5, v6;
	v5 =	vld [tilespmem:s25+$0xFFFFFF50]  }
0x47: {  	v6 =	vld [tilespmem:s26+$0xFFFFFF50]  }
0x48: {  	v56 =	vld [tilespmem:s26+$0xFFFFFF60];
	v1 =	vadd.f32 v2, v1;
	v2 =	vmul.f32 v7, v8  }
0x49: {  	v7 =	vld [tilespmem:s25+$0xFFFFFF60]  }
0x4a: {  	v1 =	vadd.f32 v2, v1;
	v2 =	vmul.f32 v3, v4;
	v3 =	vld [tilespmem:s25+$0xFFFFFF70]  }
0x4b: {  	v4 =	vld [tilespmem:s26+$0xFFFFFF70]  }
0x4c: {  	v1 =	vadd.f32 v2, v1;
	v2 =	vmul.f32 v5, v6;
	v5 =	vld [tilespmem:s25+$0xFFFFFF80]  }
0x4d: {  	v6 =	vld [tilespmem:s26+$0xFFFFFF80]  }
0x4e: {  	v57 =	vld [tilespmem:s26+$0xFFFFFF90];
	v1 =	vadd.f32 v2, v1;
	v2 =	vmul.f32 v7, v56  }
0x4f: {  	v7 =	vld [tilespmem:s25+$0xFFFFFF90]  }
0x50: {  	v1 =	vadd.f32 v2, v1;
	v2 =	vmul.f32 v3, v4;
	v3 =	vld [tilespmem:s25+$0xFFFFFFA0]  }
0x51: {  	v4 =	vld [tilespmem:s26+$0xFFFFFFA0]  }
0x52: {  	v1 =	vadd.f32 v2, v1;
	v2 =	vmul.f32 v5, v6;
	v5 =	vld [tilespmem:s25+$0xFFFFFFB0]  }
0x53: {  	v6 =	vld [tilespmem:s26+$0xFFFFFFB0]  }
0x54: {  	v58 =	vld [tilespmem:s26+$0xFFFFFFC0];
	v1 =	vadd.f32 v2, v1;
	v2 =	vmul.f32 v7, v57  }
0x55: {  	v7 =	vld [tilespmem:s25+$0xFFFFFFC0]  }
0x56: {  	v1 =	vadd.f32 v2, v1;
	v2 =	vmul.f32 v3, v4;
	v3 =	vld [tilespmem:s25+$0xFFFFFFD0]  }
0x57: {  	v4 =	vld [tilespmem:s26+$0xFFFFFFD0]  }
0x58: {  	v1 =	vadd.f32 v2, v1;
	v2 =	vmul.f32 v5, v6;
	v5 =	vld [tilespmem:s25+$0xFFFFFFE0]  }
0x59: {  	v6 =	vld [tilespmem:s26+$0xFFFFFFE0]  }
0x5a: {  	s31 =	sadd.s32 $0xFFFFFFFE, s22;
	v59 =	vld [tilespmem:s26+$0xFFFFFFF0];
	v1 =	vadd.f32 v2, v1;
	v2 =	vmul.f32 v7, v58  }
0x5b: {  	s28 =	sadd.s32 $0x2, s31;
	v7 =	vld [tilespmem:s25+$0xFFFFFFF0]  }
0x5c: {  	v1 =	vadd.f32 v2, v1;
	v2 =	vmul.f32 v3, v4;
	v3 =	vmov s28  }
0x5d: {  	v3 =	vand.u32 $0xFFFFFFFE, v3  }
0x5e: {  	v1 =	vadd.f32 v2, v1;
	v2 =	vmul.f32 v5, v6;
	v3 =	vbroadcast v3, $0x0;
	_ =	sdelay $0x1  }
0x5f: {  	v1 =	vadd.f32 v2, v1;
	v2 =	vmul.f32 v7, v59;
	_ =	sdelay $0x1  }
0x60: {  	v1 =	vadd.f32 v2, v1;
	_ =	sdelay $0x1  }
0x61: {  	[tilespmem:v3+s18+$0x0] =	vst.idx.add.f32.msk $0xffff, v1  }
0x62: {  	v1 =	vld [tilespmem:s26+$0x0]  }
0x63: {  	v2 =	vld [tilespmem:s26+$0x10]  }
0x64: {  	v3 =	vld [tilespmem:s25+$0x10]  }
0x65: {  	v4 =	vld [tilespmem:s25+$0x0]  }
0x66: {  	v5 =	vld [tilespmem:s25+$0x20]  }
0x67: {  	v6 =	vld [tilespmem:s26+$0x20]  }
0x68: {  	v7 =	vld [tilespmem:s25+$0x30]  }
0x69: {  	v60 =	vld [tilespmem:s26+$0x30]  }
0x6a: {  	v2 =	vmul.f32 v3, v2;
	v1 =	vmul.f32 v4, v1;
	v3 =	vld [tilespmem:s25+$0x40]  }
0x6b: {  	v4 =	vld [tilespmem:s26+$0x40]  }
0x6c: {  	v1 =	vadd.f32 v2, v1;
	v2 =	vmul.f32 v5, v6;
	v5 =	vld [tilespmem:s25+$0x50]  }
0x6d: {  	v6 =	vld [tilespmem:s26+$0x50]  }
0x6e: {  	v61 =	vld [tilespmem:s26+$0x60];
	v1 =	vadd.f32 v2, v1;
	v2 =	vmul.f32 v7, v60  }
0x6f: {  	v7 =	vld [tilespmem:s25+$0x60]  }
0x70: {  	v1 =	vadd.f32 v2, v1;
	v2 =	vmul.f32 v3, v4;
	v3 =	vld [tilespmem:s25+$0x70]  }
0x71: {  	v4 =	vld [tilespmem:s26+$0x70]  }
0x72: {  	v1 =	vadd.f32 v2, v1;
	v2 =	vmul.f32 v5, v6;
	v5 =	vld [tilespmem:s25+$0x80]  }
0x73: {  	v6 =	vld [tilespmem:s26+$0x80]  }
0x74: {  	v62 =	vld [tilespmem:s26+$0x90];
	v1 =	vadd.f32 v2, v1;
	v2 =	vmul.f32 v7, v61  }
0x75: {  	v7 =	vld [tilespmem:s25+$0x90]  }
0x76: {  	v1 =	vadd.f32 v2, v1;
	v2 =	vmul.f32 v3, v4;
	v3 =	vld [tilespmem:s25+$0xA0]  }
0x77: {  	v4 =	vld [tilespmem:s26+$0xA0]  }
0x78: {  	v63 =	vld [tilespmem:s26+$0xC0];
	v1 =	vadd.f32 v2, v1;
	v2 =	vmul.f32 v5, v6  }
0x79: {  	v5 =	vld [tilespmem:s25+$0xB0]  }
0x7a: {  	v6 =	vld [tilespmem:s26+$0xB0];
	v1 =	vadd.f32 v2, v1;
	v2 =	vmul.f32 v7, v62  }
0x7b: {  	v7 =	vld [tilespmem:s25+$0xC0]  }
0x7c: {  	v1 =	vadd.f32 v2, v1;
	v2 =	vmul.f32 v3, v4;
	v3 =	vld [tilespmem:s25+$0xD0]  }
0x7d: {  	v4 =	vld [tilespmem:s26+$0xD0];
	_ =	sdelay $0x1  }
0x7e: {  	v1 =	vadd.f32 v2, v1;
	v2 =	vmul.f32 v5, v6  }
0x7f: {  	v5 =	vld [tilespmem:s25+$0xE0]  }
0x80: {  	v6 =	vld [tilespmem:s26+$0xE0];
	v1 =	vadd.f32 v2, v1;
	v2 =	vmul.f32 v7, v63  }
0x81: {  	v4 =	vmul.f32 v3, v4;
	v3 =	vld [tilespmem:s26+$0xF0]  }
0x82: {  	v2 =	vadd.f32 v2, v1;
	v1 =	vld [tilespmem:s25+$0xF0];
	_ =	sdelay $0x1  }
0x83: {  	s29 =	sadd.s32 $0x3, s31  }
0x84: {  	s24 =	smul.u32 $0x78, s23;
	s28 =	simm.s32 $0x0;
	v5 =	vmul.f32 v5, v6;
	v4 =	vadd.f32 v4, v2;
	v2 =	vmov s29  }
.LBB2_5:
0x85: {  	s25 =	sadd.s32 $0x200, s25  }
0x86: {  	v4 =	vadd.f32 v5, v4;
	v1 =	vmul.f32 v1, v3;
	s26 =	sadd.s32 $0x200, s26;
	s29 =	smov.u32 s28;
	s28 =	sadd.s32 $0x2, s28  }
0x87: {  	p1 =	slt.u32 s28, $0x26  }
0x88: {  	v1 =	vadd.f32 v1, v4;
	_ =	sdelay $0x1  }
0x89: {  	[tilespmem:v2+s18+$0x0] =	vst.idx.add.f32.msk $0xffff, v1  }
0x8a: {  	v1 =	vld [tilespmem:s25+$0xFFFFFF00]  }
0x8b: {  	v2 =	vld [tilespmem:s26+$0xFFFFFF00]  }
0x8c: {  	v3 =	vld [tilespmem:s26+$0xFFFFFF10]  }
0x8d: {  	v4 =	vld [tilespmem:s25+$0xFFFFFF10]  }
0x8e: {  	v5 =	vld [tilespmem:s25+$0xFFFFFF20]  }
0x8f: {  	v6 =	vld [tilespmem:s26+$0xFFFFFF20]  }
0x90: {  	v7 =	vld [tilespmem:s25+$0xFFFFFF30]  }
0x91: {  	v1 =	vmul.f32 v1, v2;
	v2 =	vld [tilespmem:s26+$0xFFFFFF30]  }
0x92: {  	v3 =	vmul.f32 v4, v3;
	v4 =	vld [tilespmem:s25+$0xFFFFFF40]  }
0x93: {  	v8 =	vld [tilespmem:s26+$0xFFFFFF40]  }
0x94: {  	v1 =	vadd.f32 v3, v1;
	v3 =	vmul.f32 v5, v6;
	v5 =	vld [tilespmem:s25+$0xFFFFFF50]  }
0x95: {  	v6 =	vld [tilespmem:s26+$0xFFFFFF50]  }
0x96: {  	v1 =	vadd.f32 v3, v1;
	v2 =	vmul.f32 v7, v2;
	v3 =	vld [tilespmem:s25+$0xFFFFFF60]  }
0x97: {  	v7 =	vld [tilespmem:s26+$0xFFFFFF60]  }
0x98: {  	v1 =	vadd.f32 v2, v1;
	v2 =	vmul.f32 v4, v8;
	v4 =	vld [tilespmem:s25+$0xFFFFFF70]  }
0x99: {  	v8 =	vld [tilespmem:s26+$0xFFFFFF70]  }
0x9a: {  	v1 =	vadd.f32 v2, v1;
	v2 =	vmul.f32 v5, v6;
	v5 =	vld [tilespmem:s25+$0xFFFFFF80]  }
0x9b: {  	v6 =	vld [tilespmem:s26+$0xFFFFFF80]  }
0x9c: {  	v1 =	vadd.f32 v2, v1;
	v2 =	vmul.f32 v3, v7;
	v3 =	vld [tilespmem:s25+$0xFFFFFF90]  }
0x9d: {  	v7 =	vld [tilespmem:s26+$0xFFFFFF90]  }
0x9e: {  	v1 =	vadd.f32 v2, v1;
	v2 =	vmul.f32 v4, v8;
	v4 =	vld [tilespmem:s25+$0xFFFFFFA0]  }
0x9f: {  	v8 =	vld [tilespmem:s26+$0xFFFFFFA0]  }
0xa0: {  	v1 =	vadd.f32 v2, v1;
	v2 =	vmul.f32 v5, v6;
	v5 =	vld [tilespmem:s25+$0xFFFFFFB0]  }
0xa1: {  	v6 =	vld [tilespmem:s26+$0xFFFFFFB0]  }
0xa2: {  	v1 =	vadd.f32 v2, v1;
	v2 =	vmul.f32 v3, v7;
	v3 =	vld [tilespmem:s25+$0xFFFFFFC0]  }
0xa3: {  	v7 =	vld [tilespmem:s26+$0xFFFFFFC0]  }
0xa4: {  	v1 =	vadd.f32 v2, v1;
	v2 =	vmul.f32 v4, v8;
	v4 =	vld [tilespmem:s25+$0xFFFFFFD0]  }
0xa5: {  	v8 =	vld [tilespmem:s26+$0xFFFFFFD0]  }
0xa6: {  	v1 =	vadd.f32 v2, v1;
	v2 =	vmul.f32 v5, v6;
	v5 =	vld [tilespmem:s25+$0xFFFFFFE0]  }
0xa7: {  	v6 =	vld [tilespmem:s26+$0xFFFFFFE0]  }
0xa8: {  	s29 =	sadd.s32 s29, s22;
	v1 =	vadd.f32 v2, v1;
	v2 =	vmul.f32 v3, v7;
	v3 =	vld [tilespmem:s25+$0xFFFFFFF0]  }
0xa9: {  	s30 =	sadd.s32 $0x2, s29;
	s29 =	sadd.s32 $0x3, s29;
	v7 =	vld [tilespmem:s26+$0xFFFFFFF0]  }
0xaa: {  	v1 =	vadd.f32 v2, v1;
	v2 =	vmul.f32 v4, v8;
	v4 =	vmov s30  }
0xab: {  	v4 =	vand.u32 $0xFFFFFFFE, v4  }
0xac: {  	v1 =	vadd.f32 v2, v1;
	v2 =	vmul.f32 v5, v6;
	v4 =	vbroadcast v4, $0x0;
	_ =	sdelay $0x1  }
0xad: {  	v1 =	vadd.f32 v2, v1;
	v2 =	vmul.f32 v3, v7;
	_ =	sdelay $0x1  }
0xae: {  	v1 =	vadd.f32 v2, v1;
	_ =	sdelay $0x1  }
0xaf: {  	[tilespmem:v4+s18+$0x0] =	vst.idx.add.f32.msk $0xffff, v1  }
0xb0: {  	v1 =	vld [tilespmem:s26+$0x0]  }
0xb1: {  	v2 =	vld [tilespmem:s26+$0x10]  }
0xb2: {  	v3 =	vld [tilespmem:s25+$0x10]  }
0xb3: {  	v4 =	vld [tilespmem:s25+$0x0]  }
0xb4: {  	v5 =	vld [tilespmem:s25+$0x20]  }
0xb5: {  	v6 =	vld [tilespmem:s26+$0x20]  }
0xb6: {  	v7 =	vld [tilespmem:s25+$0x30]  }
0xb7: {  	v2 =	vmul.f32 v3, v2;
	v3 =	vld [tilespmem:s26+$0x30]  }
0xb8: {  	v1 =	vmul.f32 v4, v1;
	v4 =	vld [tilespmem:s25+$0x40]  }
0xb9: {  	v8 =	vld [tilespmem:s26+$0x40]  }
0xba: {  	v1 =	vadd.f32 v2, v1;
	v2 =	vmul.f32 v5, v6;
	v5 =	vld [tilespmem:s25+$0x50]  }
0xbb: {  	v6 =	vld [tilespmem:s26+$0x50]  }
0xbc: {  	v1 =	vadd.f32 v2, v1;
	v2 =	vmul.f32 v7, v3;
	v3 =	vld [tilespmem:s25+$0x60]  }
0xbd: {  	v7 =	vld [tilespmem:s26+$0x60]  }
0xbe: {  	v1 =	vadd.f32 v2, v1;
	v2 =	vmul.f32 v4, v8;
	v4 =	vld [tilespmem:s25+$0x70]  }
0xbf: {  	v8 =	vld [tilespmem:s26+$0x70]  }
0xc0: {  	v1 =	vadd.f32 v2, v1;
	v2 =	vmul.f32 v5, v6;
	v5 =	vld [tilespmem:s25+$0x80]  }
0xc1: {  	v6 =	vld [tilespmem:s26+$0x80]  }
0xc2: {  	v1 =	vadd.f32 v2, v1;
	v2 =	vmul.f32 v3, v7;
	v3 =	vld [tilespmem:s25+$0x90]  }
0xc3: {  	v7 =	vld [tilespmem:s26+$0x90]  }
0xc4: {  	v1 =	vadd.f32 v2, v1;
	v2 =	vmul.f32 v4, v8;
	v4 =	vld [tilespmem:s25+$0xA0]  }
0xc5: {  	v8 =	vld [tilespmem:s26+$0xA0]  }
0xc6: {  	v1 =	vadd.f32 v2, v1;
	v2 =	vmul.f32 v5, v6;
	v5 =	vld [tilespmem:s25+$0xB0]  }
0xc7: {  	v6 =	vld [tilespmem:s26+$0xB0]  }
0xc8: {  	v1 =	vadd.f32 v2, v1;
	v2 =	vmul.f32 v3, v7;
	v3 =	vld [tilespmem:s25+$0xC0]  }
0xc9: {  	v7 =	vld [tilespmem:s26+$0xC0]  }
0xca: {  	v1 =	vadd.f32 v2, v1;
	v2 =	vmul.f32 v4, v8;
	v4 =	vld [tilespmem:s25+$0xD0]  }
0xcb: {  	v8 =	vld [tilespmem:s26+$0xD0]  }
0xcc: {  	v1 =	vadd.f32 v2, v1;
	v2 =	vmul.f32 v5, v6;
	v5 =	vld [tilespmem:s25+$0xE0]  }
0xcd: {  	v6 =	vld [tilespmem:s26+$0xE0]  }
0xce: {  	v2 =	vadd.f32 v2, v1;
	v7 =	vmul.f32 v3, v7;
	v1 =	vld [tilespmem:s25+$0xF0]  }
.Ltmp3:
0xcf: {  	v3 =	vld [tilespmem:s26+$0xF0];
	(pc) =	sbr.rel @p1 .LBB2_5-.Ltmp3, $3  }
0xd0: {  	v2 =	vadd.f32 v7, v2;
	v4 =	vmul.f32 v4, v8;
	_ =	sdelay $0x1  }
0xd1: {  	v4 =	vadd.f32 v4, v2;
	v5 =	vmul.f32 v5, v6  }
0xd2: {  	v2 =	vmov s29  }
0xd3: {  	v4 =	vadd.f32 v5, v4;
	v1 =	vmul.f32 v1, v3;
	_ =	sdelay $0x1  }
0xd4: {  	v1 =	vadd.f32 v1, v4;
	_ =	sdelay $0x1  }
0xd5: {  	s25 =	sadd.s32 @!p0 $0x78, s24;
	s26 =	simm.s32 @!p0 $0x28;
	s28 =	simm.s32 @!p0 $0x3AA0;
	[tilespmem:v2+s18+$0x0] =	vst.idx.add.f32.msk $0xffff, v1  }
0xd6: {  	[tilespmem:s28], [sflag:$0x1] =	stream.indirect.gather @!p0 [hbm4b:s3+s26], $0x100, s25, s26, $0xb8;
	[tilespmem:$0x12AA0] =	vst v63  }
0xd7: {  	s25 =	sadd.s32 @!p0 $0x1400, s24;
	s28 =	simm.s32 @!p0 $0xB2A0  }
0xd8: {  	[tilespmem:s28], [sflag:$0x1] =	stream.indirect.gather @!p0 [hbm4b:s4+s26], $0x100, s25, s26, $0xb8;
	[tilespmem:$0x12AA0] =	vst v63  }
0xd9: {  	_ =	swait.ge [sflag:s19], $0x2800  }
0xda: {  	[sflag:s19] =	ssyncset.done $0x0  }
0xdb: {  	[sflag:s19] =	ssyncadd.s32 $0xFFFFD800  }
0xdc: {  	_ =	swait.ge [sflag:s19], $0x2800  }
0xdd: {  	[sflag:s19] =	ssyncset.done $0x0  }
0xde: {  	s25 =	simm.s32 $0xDBA0;
	[sflag:s19] =	ssyncadd.s32 $0xFFFFD800  }
0xdf: {  	s26 =	simm.s32 $0x63A0;
	v1 =	vld [tilespmem:s25+$0xFFFFFF00]  }
0xe0: {  	v2 =	vld [tilespmem:s26+$0xFFFFFF00]  }
0xe1: {  	v3 =	vld [tilespmem:s26+$0xFFFFFF10]  }
0xe2: {  	v4 =	vld [tilespmem:s25+$0xFFFFFF10]  }
0xe3: {  	v5 =	vld [tilespmem:s25+$0xFFFFFF20]  }
0xe4: {  	v6 =	vld [tilespmem:s26+$0xFFFFFF20]  }
0xe5: {  	v7 =	vld [tilespmem:s25+$0xFFFFFF30]  }
0xe6: {  	v8 =	vld [tilespmem:s26+$0xFFFFFF30]  }
0xe7: {  	v1 =	vmul.f32 v1, v2;
	v2 =	vmul.f32 v4, v3;
	v3 =	vld [tilespmem:s25+$0xFFFFFF40]  }
0xe8: {  	v4 =	vld [tilespmem:s26+$0xFFFFFF40]  }
0xe9: {  	v1 =	vadd.f32 v2, v1;
	v2 =	vmul.f32 v5, v6;
	v5 =	vld [tilespmem:s25+$0xFFFFFF50]  }
0xea: {  	v6 =	vld [tilespmem:s26+$0xFFFFFF50]  }
0xeb: {  	v56 =	vld [tilespmem:s26+$0xFFFFFF60];
	v1 =	vadd.f32 v2, v1;
	v2 =	vmul.f32 v7, v8  }
0xec: {  	v7 =	vld [tilespmem:s25+$0xFFFFFF60]  }
0xed: {  	v1 =	vadd.f32 v2, v1;
	v2 =	vmul.f32 v3, v4;
	v3 =	vld [tilespmem:s25+$0xFFFFFF70]  }
0xee: {  	v4 =	vld [tilespmem:s26+$0xFFFFFF70]  }
0xef: {  	v1 =	vadd.f32 v2, v1;
	v2 =	vmul.f32 v5, v6;
	v5 =	vld [tilespmem:s25+$0xFFFFFF80]  }
0xf0: {  	v6 =	vld [tilespmem:s26+$0xFFFFFF80]  }
0xf1: {  	v57 =	vld [tilespmem:s26+$0xFFFFFF90];
	v1 =	vadd.f32 v2, v1;
	v2 =	vmul.f32 v7, v56  }
0xf2: {  	v7 =	vld [tilespmem:s25+$0xFFFFFF90]  }
0xf3: {  	v1 =	vadd.f32 v2, v1;
	v2 =	vmul.f32 v3, v4;
	v3 =	vld [tilespmem:s25+$0xFFFFFFA0]  }
0xf4: {  	v4 =	vld [tilespmem:s26+$0xFFFFFFA0]  }
0xf5: {  	v1 =	vadd.f32 v2, v1;
	v2 =	vmul.f32 v5, v6;
	v5 =	vld [tilespmem:s25+$0xFFFFFFB0]  }
0xf6: {  	v6 =	vld [tilespmem:s26+$0xFFFFFFB0]  }
0xf7: {  	v58 =	vld [tilespmem:s26+$0xFFFFFFC0];
	v1 =	vadd.f32 v2, v1;
	v2 =	vmul.f32 v7, v57  }
0xf8: {  	v7 =	vld [tilespmem:s25+$0xFFFFFFC0]  }
0xf9: {  	v1 =	vadd.f32 v2, v1;
	v2 =	vmul.f32 v3, v4;
	v3 =	vld [tilespmem:s25+$0xFFFFFFD0]  }
0xfa: {  	v4 =	vld [tilespmem:s26+$0xFFFFFFD0]  }
0xfb: {  	v1 =	vadd.f32 v2, v1;
	v2 =	vmul.f32 v5, v6;
	v5 =	vld [tilespmem:s25+$0xFFFFFFE0]  }
0xfc: {  	v6 =	vld [tilespmem:s26+$0xFFFFFFE0]  }
0xfd: {  	s28 =	sadd.s32 $0xFFFFFFFE, s22;
	v59 =	vld [tilespmem:s26+$0xFFFFFFF0];
	v1 =	vadd.f32 v2, v1;
	v2 =	vmul.f32 v7, v58  }
0xfe: {  	s29 =	sadd.s32 $0x2A, s28;
	v7 =	vld [tilespmem:s25+$0xFFFFFFF0]  }
0xff: {  	v1 =	vadd.f32 v2, v1;
	v2 =	vmul.f32 v3, v4;
	v3 =	vmov s29  }
0x100: {  	v3 =	vand.u32 $0xFFFFFFFE, v3  }
0x101: {  	v1 =	vadd.f32 v2, v1;
	v2 =	vmul.f32 v5, v6;
	v3 =	vbroadcast v3, $0x0;
	_ =	sdelay $0x1  }
0x102: {  	v1 =	vadd.f32 v2, v1;
	v2 =	vmul.f32 v7, v59;
	_ =	sdelay $0x1  }
0x103: {  	v1 =	vadd.f32 v2, v1;
	_ =	sdelay $0x1  }
0x104: {  	[tilespmem:v3+s18+$0x0] =	vst.idx.add.f32.msk $0xffff, v1  }
0x105: {  	v1 =	vld [tilespmem:s26+$0x0]  }
0x106: {  	v2 =	vld [tilespmem:s26+$0x10]  }
0x107: {  	v3 =	vld [tilespmem:s25+$0x10]  }
0x108: {  	v4 =	vld [tilespmem:s25+$0x0]  }
0x109: {  	v5 =	vld [tilespmem:s25+$0x20]  }
0x10a: {  	v6 =	vld [tilespmem:s26+$0x20]  }
0x10b: {  	v7 =	vld [tilespmem:s25+$0x30]  }
0x10c: {  	v60 =	vld [tilespmem:s26+$0x30]  }
0x10d: {  	v2 =	vmul.f32 v3, v2;
	v1 =	vmul.f32 v4, v1;
	v3 =	vld [tilespmem:s25+$0x40]  }
0x10e: {  	v4 =	vld [tilespmem:s26+$0x40]  }
0x10f: {  	v1 =	vadd.f32 v2, v1;
	v2 =	vmul.f32 v5, v6;
	v5 =	vld [tilespmem:s25+$0x50]  }
0x110: {  	v6 =	vld [tilespmem:s26+$0x50]  }
0x111: {  	v61 =	vld [tilespmem:s26+$0x60];
	v1 =	vadd.f32 v2, v1;
	v2 =	vmul.f32 v7, v60  }
0x112: {  	v7 =	vld [tilespmem:s25+$0x60]  }
0x113: {  	v1 =	vadd.f32 v2, v1;
	v2 =	vmul.f32 v3, v4;
	v3 =	vld [tilespmem:s25+$0x70]  }
0x114: {  	v4 =	vld [tilespmem:s26+$0x70]  }
0x115: {  	v1 =	vadd.f32 v2, v1;
	v2 =	vmul.f32 v5, v6;
	v5 =	vld [tilespmem:s25+$0x80]  }
0x116: {  	v6 =	vld [tilespmem:s26+$0x80]  }
0x117: {  	v62 =	vld [tilespmem:s26+$0x90];
	v1 =	vadd.f32 v2, v1;
	v2 =	vmul.f32 v7, v61  }
0x118: {  	v7 =	vld [tilespmem:s25+$0x90]  }
0x119: {  	v1 =	vadd.f32 v2, v1;
	v2 =	vmul.f32 v3, v4;
	v3 =	vld [tilespmem:s25+$0xA0]  }
0x11a: {  	v4 =	vld [tilespmem:s26+$0xA0]  }
0x11b: {  	v63 =	vld [tilespmem:s26+$0xC0];
	v1 =	vadd.f32 v2, v1;
	v2 =	vmul.f32 v5, v6  }
0x11c: {  	v5 =	vld [tilespmem:s25+$0xB0]  }
0x11d: {  	v6 =	vld [tilespmem:s26+$0xB0];
	v1 =	vadd.f32 v2, v1;
	v2 =	vmul.f32 v7, v62  }
0x11e: {  	v7 =	vld [tilespmem:s25+$0xC0]  }
0x11f: {  	v1 =	vadd.f32 v2, v1;
	v2 =	vmul.f32 v3, v4;
	v3 =	vld [tilespmem:s25+$0xD0]  }
0x120: {  	v4 =	vld [tilespmem:s26+$0xD0];
	_ =	sdelay $0x1  }
0x121: {  	v1 =	vadd.f32 v2, v1;
	v2 =	vmul.f32 v5, v6  }
0x122: {  	v5 =	vld [tilespmem:s25+$0xE0]  }
0x123: {  	v6 =	vld [tilespmem:s26+$0xE0];
	v1 =	vadd.f32 v2, v1;
	v2 =	vmul.f32 v7, v63  }
0x124: {  	v4 =	vmul.f32 v3, v4;
	v3 =	vld [tilespmem:s26+$0xF0]  }
0x125: {  	v2 =	vadd.f32 v2, v1;
	v1 =	vld [tilespmem:s25+$0xF0];
	_ =	sdelay $0x1  }
0x126: {  	s31 =	sadd.s32 $0x2B, s28  }
0x127: {  	s28 =	simm.s32 $0x0;
	v5 =	vmul.f32 v5, v6;
	v4 =	vadd.f32 v4, v2;
	v2 =	vmov s31  }
.LBB2_7:
0x128: {  	s25 =	sadd.s32 $0x200, s25  }
0x129: {  	v4 =	vadd.f32 v5, v4;
	v1 =	vmul.f32 v1, v3;
	s26 =	sadd.s32 $0x200, s26;
	s29 =	smov.u32 s28;
	s28 =	sadd.s32 $0x2, s28  }
0x12a: {  	p1 =	slt.u32 s28, $0x26  }
0x12b: {  	v1 =	vadd.f32 v1, v4;
	_ =	sdelay $0x1  }
0x12c: {  	[tilespmem:v2+s18+$0x0] =	vst.idx.add.f32.msk $0xffff, v1  }
0x12d: {  	v1 =	vld [tilespmem:s25+$0xFFFFFF00]  }
0x12e: {  	v2 =	vld [tilespmem:s26+$0xFFFFFF00]  }
0x12f: {  	v3 =	vld [tilespmem:s26+$0xFFFFFF10]  }
0x130: {  	v4 =	vld [tilespmem:s25+$0xFFFFFF10]  }
0x131: {  	v5 =	vld [tilespmem:s25+$0xFFFFFF20]  }
0x132: {  	v6 =	vld [tilespmem:s26+$0xFFFFFF20]  }
0x133: {  	v7 =	vld [tilespmem:s25+$0xFFFFFF30]  }
0x134: {  	v1 =	vmul.f32 v1, v2;
	v2 =	vld [tilespmem:s26+$0xFFFFFF30]  }
0x135: {  	v3 =	vmul.f32 v4, v3;
	v4 =	vld [tilespmem:s25+$0xFFFFFF40]  }
0x136: {  	v8 =	vld [tilespmem:s26+$0xFFFFFF40]  }
0x137: {  	v1 =	vadd.f32 v3, v1;
	v3 =	vmul.f32 v5, v6;
	v5 =	vld [tilespmem:s25+$0xFFFFFF50]  }
0x138: {  	v6 =	vld [tilespmem:s26+$0xFFFFFF50]  }
0x139: {  	v1 =	vadd.f32 v3, v1;
	v2 =	vmul.f32 v7, v2;
	v3 =	vld [tilespmem:s25+$0xFFFFFF60]  }
0x13a: {  	v7 =	vld [tilespmem:s26+$0xFFFFFF60]  }
0x13b: {  	v1 =	vadd.f32 v2, v1;
	v2 =	vmul.f32 v4, v8;
	v4 =	vld [tilespmem:s25+$0xFFFFFF70]  }
0x13c: {  	v8 =	vld [tilespmem:s26+$0xFFFFFF70]  }
0x13d: {  	v1 =	vadd.f32 v2, v1;
	v2 =	vmul.f32 v5, v6;
	v5 =	vld [tilespmem:s25+$0xFFFFFF80]  }
0x13e: {  	v6 =	vld [tilespmem:s26+$0xFFFFFF80]  }
0x13f: {  	v1 =	vadd.f32 v2, v1;
	v2 =	vmul.f32 v3, v7;
	v3 =	vld [tilespmem:s25+$0xFFFFFF90]  }
0x140: {  	v7 =	vld [tilespmem:s26+$0xFFFFFF90]  }
0x141: {  	v1 =	vadd.f32 v2, v1;
	v2 =	vmul.f32 v4, v8;
	v4 =	vld [tilespmem:s25+$0xFFFFFFA0]  }
0x142: {  	v8 =	vld [tilespmem:s26+$0xFFFFFFA0]  }
0x143: {  	v1 =	vadd.f32 v2, v1;
	v2 =	vmul.f32 v5, v6;
	v5 =	vld [tilespmem:s25+$0xFFFFFFB0]  }
0x144: {  	v6 =	vld [tilespmem:s26+$0xFFFFFFB0]  }
0x145: {  	v1 =	vadd.f32 v2, v1;
	v2 =	vmul.f32 v3, v7;
	v3 =	vld [tilespmem:s25+$0xFFFFFFC0]  }
0x146: {  	v7 =	vld [tilespmem:s26+$0xFFFFFFC0]  }
0x147: {  	v1 =	vadd.f32 v2, v1;
	v2 =	vmul.f32 v4, v8;
	v4 =	vld [tilespmem:s25+$0xFFFFFFD0]  }
0x148: {  	v8 =	vld [tilespmem:s26+$0xFFFFFFD0]  }
0x149: {  	v1 =	vadd.f32 v2, v1;
	v2 =	vmul.f32 v5, v6;
	v5 =	vld [tilespmem:s25+$0xFFFFFFE0]  }
0x14a: {  	v6 =	vld [tilespmem:s26+$0xFFFFFFE0]  }
0x14b: {  	s29 =	sadd.s32 s29, s22;
	v1 =	vadd.f32 v2, v1;
	v2 =	vmul.f32 v3, v7;
	v3 =	vld [tilespmem:s25+$0xFFFFFFF0]  }
0x14c: {  	s30 =	sadd.s32 $0x2A, s29;
	s29 =	sadd.s32 $0x2B, s29;
	v7 =	vld [tilespmem:s26+$0xFFFFFFF0]  }
0x14d: {  	v1 =	vadd.f32 v2, v1;
	v2 =	vmul.f32 v4, v8;
	v4 =	vmov s30  }
0x14e: {  	v4 =	vand.u32 $0xFFFFFFFE, v4  }
0x14f: {  	v1 =	vadd.f32 v2, v1;
	v2 =	vmul.f32 v5, v6;
	v4 =	vbroadcast v4, $0x0;
	_ =	sdelay $0x1  }
0x150: {  	v1 =	vadd.f32 v2, v1;
	v2 =	vmul.f32 v3, v7;
	_ =	sdelay $0x1  }
0x151: {  	v1 =	vadd.f32 v2, v1;
	_ =	sdelay $0x1  }
0x152: {  	[tilespmem:v4+s18+$0x0] =	vst.idx.add.f32.msk $0xffff, v1  }
0x153: {  	v1 =	vld [tilespmem:s26+$0x0]  }
0x154: {  	v2 =	vld [tilespmem:s26+$0x10]  }
0x155: {  	v3 =	vld [tilespmem:s25+$0x10]  }
0x156: {  	v4 =	vld [tilespmem:s25+$0x0]  }
0x157: {  	v5 =	vld [tilespmem:s25+$0x20]  }
0x158: {  	v6 =	vld [tilespmem:s26+$0x20]  }
0x159: {  	v7 =	vld [tilespmem:s25+$0x30]  }
0x15a: {  	v2 =	vmul.f32 v3, v2;
	v3 =	vld [tilespmem:s26+$0x30]  }
0x15b: {  	v1 =	vmul.f32 v4, v1;
	v4 =	vld [tilespmem:s25+$0x40]  }
0x15c: {  	v8 =	vld [tilespmem:s26+$0x40]  }
0x15d: {  	v1 =	vadd.f32 v2, v1;
	v2 =	vmul.f32 v5, v6;
	v5 =	vld [tilespmem:s25+$0x50]  }
0x15e: {  	v6 =	vld [tilespmem:s26+$0x50]  }
0x15f: {  	v1 =	vadd.f32 v2, v1;
	v2 =	vmul.f32 v7, v3;
	v3 =	vld [tilespmem:s25+$0x60]  }
0x160: {  	v7 =	vld [tilespmem:s26+$0x60]  }
0x161: {  	v1 =	vadd.f32 v2, v1;
	v2 =	vmul.f32 v4, v8;
	v4 =	vld [tilespmem:s25+$0x70]  }
0x162: {  	v8 =	vld [tilespmem:s26+$0x70]  }
0x163: {  	v1 =	vadd.f32 v2, v1;
	v2 =	vmul.f32 v5, v6;
	v5 =	vld [tilespmem:s25+$0x80]  }
0x164: {  	v6 =	vld [tilespmem:s26+$0x80]  }
0x165: {  	v1 =	vadd.f32 v2, v1;
	v2 =	vmul.f32 v3, v7;
	v3 =	vld [tilespmem:s25+$0x90]  }
0x166: {  	v7 =	vld [tilespmem:s26+$0x90]  }
0x167: {  	v1 =	vadd.f32 v2, v1;
	v2 =	vmul.f32 v4, v8;
	v4 =	vld [tilespmem:s25+$0xA0]  }
0x168: {  	v8 =	vld [tilespmem:s26+$0xA0]  }
0x169: {  	v1 =	vadd.f32 v2, v1;
	v2 =	vmul.f32 v5, v6;
	v5 =	vld [tilespmem:s25+$0xB0]  }
0x16a: {  	v6 =	vld [tilespmem:s26+$0xB0]  }
0x16b: {  	v1 =	vadd.f32 v2, v1;
	v2 =	vmul.f32 v3, v7;
	v3 =	vld [tilespmem:s25+$0xC0]  }
0x16c: {  	v7 =	vld [tilespmem:s26+$0xC0]  }
0x16d: {  	v1 =	vadd.f32 v2, v1;
	v2 =	vmul.f32 v4, v8;
	v4 =	vld [tilespmem:s25+$0xD0]  }
0x16e: {  	v8 =	vld [tilespmem:s26+$0xD0]  }
0x16f: {  	v1 =	vadd.f32 v2, v1;
	v2 =	vmul.f32 v5, v6;
	v5 =	vld [tilespmem:s25+$0xE0]  }
0x170: {  	v6 =	vld [tilespmem:s26+$0xE0]  }
0x171: {  	v2 =	vadd.f32 v2, v1;
	v7 =	vmul.f32 v3, v7;
	v1 =	vld [tilespmem:s25+$0xF0]  }
.Ltmp4:
0x172: {  	v3 =	vld [tilespmem:s26+$0xF0];
	(pc) =	sbr.rel @p1 .LBB2_7-.Ltmp4, $3  }
0x173: {  	v2 =	vadd.f32 v7, v2;
	v4 =	vmul.f32 v4, v8;
	_ =	sdelay $0x1  }
0x174: {  	v4 =	vadd.f32 v4, v2;
	v5 =	vmul.f32 v5, v6  }
0x175: {  	v2 =	vmov s29  }
.Ltmp5:
0x176: {  	v4 =	vadd.f32 v5, v4;
	v1 =	vmul.f32 v1, v3;
	(pc) =	sbr.rel @p0 .LBB2_12-.Ltmp5, $3  }
0x177: {  	_ = 	snop  }
0x178: {  	v1 =	vadd.f32 v1, v4;
	_ =	sdelay $0x1  }
0x179: {  	[tilespmem:v2+s18+$0x0] =	vst.idx.add.f32.msk $0xffff, v1  }
0x17a: {  	s25 =	sadd.s32 $0xA0, s24  }
0x17b: {  	[tilespmem:s14], [sflag:$0x2] =	stream.indirect.gather [hbm4b:s3+s11], $0x100, s25, s11, $0xb8;
	[tilespmem:$0x12AA0] =	vst v63  }
0x17c: {  	s30 =	sadd.s32 $0x1428, s24  }
0x17d: {  	[tilespmem:s16], [sflag:$0x2] =	stream.indirect.gather [hbm4b:s4+s11], $0x100, s30, s11, $0xb8;
	[tilespmem:$0x12AA0] =	vst v63  }
0x17e: {  	_ =	swait.ge [sflag:s20], $0x2800  }
0x17f: {  	[sflag:s20] =	ssyncset.done $0x0  }
0x180: {  	[sflag:s20] =	ssyncadd.s32 $0xFFFFD800  }
0x181: {  	_ =	swait.ge [sflag:s20], $0x2800  }
0x182: {  	[sflag:s20] =	ssyncset.done $0x0  }
0x183: {  	s24 =	simm.s32 $0x103A0;
	[sflag:s20] =	ssyncadd.s32 $0xFFFFD800  }
0x184: {  	s25 =	simm.s32 $0x8BA0;
	v1 =	vld [tilespmem:s24+$0xFFFFFF00]  }
0x185: {  	v2 =	vld [tilespmem:s25+$0xFFFFFF00]  }
0x186: {  	v3 =	vld [tilespmem:s25+$0xFFFFFF10]  }
0x187: {  	v4 =	vld [tilespmem:s24+$0xFFFFFF10]  }
0x188: {  	v5 =	vld [tilespmem:s24+$0xFFFFFF20]  }
0x189: {  	v6 =	vld [tilespmem:s25+$0xFFFFFF20]  }
0x18a: {  	v7 =	vld [tilespmem:s24+$0xFFFFFF30]  }
0x18b: {  	v8 =	vld [tilespmem:s25+$0xFFFFFF30]  }
0x18c: {  	v1 =	vmul.f32 v1, v2;
	v2 =	vmul.f32 v4, v3;
	v3 =	vld [tilespmem:s24+$0xFFFFFF40]  }
0x18d: {  	v4 =	vld [tilespmem:s25+$0xFFFFFF40]  }
0x18e: {  	v1 =	vadd.f32 v2, v1;
	v2 =	vmul.f32 v5, v6;
	v5 =	vld [tilespmem:s24+$0xFFFFFF50]  }
0x18f: {  	v6 =	vld [tilespmem:s25+$0xFFFFFF50]  }
0x190: {  	v56 =	vld [tilespmem:s25+$0xFFFFFF60];
	v1 =	vadd.f32 v2, v1;
	v2 =	vmul.f32 v7, v8  }
0x191: {  	v7 =	vld [tilespmem:s24+$0xFFFFFF60]  }
0x192: {  	v1 =	vadd.f32 v2, v1;
	v2 =	vmul.f32 v3, v4;
	v3 =	vld [tilespmem:s24+$0xFFFFFF70]  }
0x193: {  	v4 =	vld [tilespmem:s25+$0xFFFFFF70]  }
0x194: {  	v1 =	vadd.f32 v2, v1;
	v2 =	vmul.f32 v5, v6;
	v5 =	vld [tilespmem:s24+$0xFFFFFF80]  }
0x195: {  	v6 =	vld [tilespmem:s25+$0xFFFFFF80]  }
0x196: {  	v57 =	vld [tilespmem:s25+$0xFFFFFF90];
	v1 =	vadd.f32 v2, v1;
	v2 =	vmul.f32 v7, v56  }
0x197: {  	v7 =	vld [tilespmem:s24+$0xFFFFFF90]  }
0x198: {  	v1 =	vadd.f32 v2, v1;
	v2 =	vmul.f32 v3, v4;
	v3 =	vld [tilespmem:s24+$0xFFFFFFA0]  }
0x199: {  	v4 =	vld [tilespmem:s25+$0xFFFFFFA0]  }
0x19a: {  	v1 =	vadd.f32 v2, v1;
	v2 =	vmul.f32 v5, v6;
	v5 =	vld [tilespmem:s24+$0xFFFFFFB0]  }
0x19b: {  	v6 =	vld [tilespmem:s25+$0xFFFFFFB0]  }
0x19c: {  	v58 =	vld [tilespmem:s25+$0xFFFFFFC0];
	v1 =	vadd.f32 v2, v1;
	v2 =	vmul.f32 v7, v57  }
0x19d: {  	v7 =	vld [tilespmem:s24+$0xFFFFFFC0]  }
0x19e: {  	v1 =	vadd.f32 v2, v1;
	v2 =	vmul.f32 v3, v4;
	v3 =	vld [tilespmem:s24+$0xFFFFFFD0]  }
0x19f: {  	v4 =	vld [tilespmem:s25+$0xFFFFFFD0]  }
0x1a0: {  	v1 =	vadd.f32 v2, v1;
	v2 =	vmul.f32 v5, v6;
	v5 =	vld [tilespmem:s24+$0xFFFFFFE0]  }
0x1a1: {  	v6 =	vld [tilespmem:s25+$0xFFFFFFE0]  }
0x1a2: {  	s26 =	sadd.s32 $0xFFFFFFFE, s22;
	v59 =	vld [tilespmem:s25+$0xFFFFFFF0];
	v1 =	vadd.f32 v2, v1;
	v2 =	vmul.f32 v7, v58  }
0x1a3: {  	s28 =	sadd.s32 $0x52, s26;
	v7 =	vld [tilespmem:s24+$0xFFFFFFF0]  }
0x1a4: {  	v1 =	vadd.f32 v2, v1;
	v2 =	vmul.f32 v3, v4;
	v3 =	vmov s28  }
0x1a5: {  	v3 =	vand.u32 $0xFFFFFFFE, v3  }
0x1a6: {  	v1 =	vadd.f32 v2, v1;
	v2 =	vmul.f32 v5, v6;
	v3 =	vbroadcast v3, $0x0;
	_ =	sdelay $0x1  }
0x1a7: {  	v1 =	vadd.f32 v2, v1;
	v2 =	vmul.f32 v7, v59;
	_ =	sdelay $0x1  }
0x1a8: {  	v1 =	vadd.f32 v2, v1;
	_ =	sdelay $0x1  }
0x1a9: {  	[tilespmem:v3+s18+$0x0] =	vst.idx.add.f32.msk $0xffff, v1  }
0x1aa: {  	v1 =	vld [tilespmem:s25+$0x0]  }
0x1ab: {  	v2 =	vld [tilespmem:s25+$0x10]  }
0x1ac: {  	v3 =	vld [tilespmem:s24+$0x10]  }
0x1ad: {  	v4 =	vld [tilespmem:s24+$0x0]  }
0x1ae: {  	v5 =	vld [tilespmem:s24+$0x20]  }
0x1af: {  	v6 =	vld [tilespmem:s25+$0x20]  }
0x1b0: {  	v7 =	vld [tilespmem:s24+$0x30]  }
0x1b1: {  	v60 =	vld [tilespmem:s25+$0x30]  }
0x1b2: {  	v2 =	vmul.f32 v3, v2;
	v1 =	vmul.f32 v4, v1;
	v3 =	vld [tilespmem:s24+$0x40]  }
0x1b3: {  	v4 =	vld [tilespmem:s25+$0x40]  }
0x1b4: {  	v1 =	vadd.f32 v2, v1;
	v2 =	vmul.f32 v5, v6;
	v5 =	vld [tilespmem:s24+$0x50]  }
0x1b5: {  	v6 =	vld [tilespmem:s25+$0x50]  }
0x1b6: {  	v61 =	vld [tilespmem:s25+$0x60];
	v1 =	vadd.f32 v2, v1;
	v2 =	vmul.f32 v7, v60  }
0x1b7: {  	v7 =	vld [tilespmem:s24+$0x60]  }
0x1b8: {  	v1 =	vadd.f32 v2, v1;
	v2 =	vmul.f32 v3, v4;
	v3 =	vld [tilespmem:s24+$0x70]  }
0x1b9: {  	v4 =	vld [tilespmem:s25+$0x70]  }
0x1ba: {  	v1 =	vadd.f32 v2, v1;
	v2 =	vmul.f32 v5, v6;
	v5 =	vld [tilespmem:s24+$0x80]  }
0x1bb: {  	v6 =	vld [tilespmem:s25+$0x80]  }
0x1bc: {  	v62 =	vld [tilespmem:s25+$0x90];
	v1 =	vadd.f32 v2, v1;
	v2 =	vmul.f32 v7, v61  }
0x1bd: {  	v7 =	vld [tilespmem:s24+$0x90]  }
0x1be: {  	v1 =	vadd.f32 v2, v1;
	v2 =	vmul.f32 v3, v4;
	v3 =	vld [tilespmem:s24+$0xA0]  }
0x1bf: {  	v4 =	vld [tilespmem:s25+$0xA0]  }
0x1c0: {  	v63 =	vld [tilespmem:s25+$0xC0];
	v1 =	vadd.f32 v2, v1;
	v2 =	vmul.f32 v5, v6  }
0x1c1: {  	v5 =	vld [tilespmem:s24+$0xB0]  }
0x1c2: {  	v6 =	vld [tilespmem:s25+$0xB0];
	v1 =	vadd.f32 v2, v1;
	v2 =	vmul.f32 v7, v62  }
0x1c3: {  	v7 =	vld [tilespmem:s24+$0xC0]  }
0x1c4: {  	v1 =	vadd.f32 v2, v1;
	v2 =	vmul.f32 v3, v4;
	v3 =	vld [tilespmem:s24+$0xD0]  }
0x1c5: {  	v4 =	vld [tilespmem:s25+$0xD0];
	_ =	sdelay $0x1  }
0x1c6: {  	v1 =	vadd.f32 v2, v1;
	v2 =	vmul.f32 v5, v6  }
0x1c7: {  	v5 =	vld [tilespmem:s24+$0xE0]  }
0x1c8: {  	v6 =	vld [tilespmem:s25+$0xE0];
	v1 =	vadd.f32 v2, v1;
	v2 =	vmul.f32 v7, v63  }
0x1c9: {  	v4 =	vmul.f32 v3, v4;
	v3 =	vld [tilespmem:s25+$0xF0]  }
0x1ca: {  	v2 =	vadd.f32 v2, v1;
	v1 =	vld [tilespmem:s24+$0xF0];
	_ =	sdelay $0x1  }
0x1cb: {  	s31 =	sadd.s32 $0x53, s26  }
0x1cc: {  	s26 =	simm.s32 $0x0;
	v5 =	vmul.f32 v5, v6;
	v4 =	vadd.f32 v4, v2;
	v2 =	vmov s31  }
.LBB2_10:
0x1cd: {  	s24 =	sadd.s32 $0x200, s24  }
0x1ce: {  	v4 =	vadd.f32 v5, v4;
	v1 =	vmul.f32 v1, v3;
	s25 =	sadd.s32 $0x200, s25;
	s28 =	smov.u32 s26;
	s26 =	sadd.s32 $0x2, s26  }
0x1cf: {  	p0 =	slt.u32 s26, $0x26  }
0x1d0: {  	v1 =	vadd.f32 v1, v4;
	_ =	sdelay $0x1  }
0x1d1: {  	[tilespmem:v2+s18+$0x0] =	vst.idx.add.f32.msk $0xffff, v1  }
0x1d2: {  	v1 =	vld [tilespmem:s24+$0xFFFFFF00]  }
0x1d3: {  	v2 =	vld [tilespmem:s25+$0xFFFFFF00]  }
0x1d4: {  	v3 =	vld [tilespmem:s25+$0xFFFFFF10]  }
0x1d5: {  	v4 =	vld [tilespmem:s24+$0xFFFFFF10]  }
0x1d6: {  	v5 =	vld [tilespmem:s24+$0xFFFFFF20]  }
0x1d7: {  	v6 =	vld [tilespmem:s25+$0xFFFFFF20]  }
0x1d8: {  	v7 =	vld [tilespmem:s24+$0xFFFFFF30]  }
0x1d9: {  	v1 =	vmul.f32 v1, v2;
	v2 =	vld [tilespmem:s25+$0xFFFFFF30]  }
0x1da: {  	v3 =	vmul.f32 v4, v3;
	v4 =	vld [tilespmem:s24+$0xFFFFFF40]  }
0x1db: {  	v8 =	vld [tilespmem:s25+$0xFFFFFF40]  }
0x1dc: {  	v1 =	vadd.f32 v3, v1;
	v3 =	vmul.f32 v5, v6;
	v5 =	vld [tilespmem:s24+$0xFFFFFF50]  }
0x1dd: {  	v6 =	vld [tilespmem:s25+$0xFFFFFF50]  }
0x1de: {  	v1 =	vadd.f32 v3, v1;
	v2 =	vmul.f32 v7, v2;
	v3 =	vld [tilespmem:s24+$0xFFFFFF60]  }
0x1df: {  	v7 =	vld [tilespmem:s25+$0xFFFFFF60]  }
0x1e0: {  	v1 =	vadd.f32 v2, v1;
	v2 =	vmul.f32 v4, v8;
	v4 =	vld [tilespmem:s24+$0xFFFFFF70]  }
0x1e1: {  	v8 =	vld [tilespmem:s25+$0xFFFFFF70]  }
0x1e2: {  	v1 =	vadd.f32 v2, v1;
	v2 =	vmul.f32 v5, v6;
	v5 =	vld [tilespmem:s24+$0xFFFFFF80]  }
0x1e3: {  	v6 =	vld [tilespmem:s25+$0xFFFFFF80]  }
0x1e4: {  	v1 =	vadd.f32 v2, v1;
	v2 =	vmul.f32 v3, v7;
	v3 =	vld [tilespmem:s24+$0xFFFFFF90]  }
0x1e5: {  	v7 =	vld [tilespmem:s25+$0xFFFFFF90]  }
0x1e6: {  	v1 =	vadd.f32 v2, v1;
	v2 =	vmul.f32 v4, v8;
	v4 =	vld [tilespmem:s24+$0xFFFFFFA0]  }
0x1e7: {  	v8 =	vld [tilespmem:s25+$0xFFFFFFA0]  }
0x1e8: {  	v1 =	vadd.f32 v2, v1;
	v2 =	vmul.f32 v5, v6;
	v5 =	vld [tilespmem:s24+$0xFFFFFFB0]  }
0x1e9: {  	v6 =	vld [tilespmem:s25+$0xFFFFFFB0]  }
0x1ea: {  	v1 =	vadd.f32 v2, v1;
	v2 =	vmul.f32 v3, v7;
	v3 =	vld [tilespmem:s24+$0xFFFFFFC0]  }
0x1eb: {  	v7 =	vld [tilespmem:s25+$0xFFFFFFC0]  }
0x1ec: {  	v1 =	vadd.f32 v2, v1;
	v2 =	vmul.f32 v4, v8;
	v4 =	vld [tilespmem:s24+$0xFFFFFFD0]  }
0x1ed: {  	v8 =	vld [tilespmem:s25+$0xFFFFFFD0]  }
0x1ee: {  	v1 =	vadd.f32 v2, v1;
	v2 =	vmul.f32 v5, v6;
	v5 =	vld [tilespmem:s24+$0xFFFFFFE0]  }
0x1ef: {  	v6 =	vld [tilespmem:s25+$0xFFFFFFE0]  }
0x1f0: {  	s28 =	sadd.s32 s28, s22;
	v1 =	vadd.f32 v2, v1;
	v2 =	vmul.f32 v3, v7;
	v3 =	vld [tilespmem:s24+$0xFFFFFFF0]  }
0x1f1: {  	s29 =	sadd.s32 $0x52, s28;
	s28 =	sadd.s32 $0x53, s28;
	v7 =	vld [tilespmem:s25+$0xFFFFFFF0]  }
0x1f2: {  	v1 =	vadd.f32 v2, v1;
	v2 =	vmul.f32 v4, v8;
	v4 =	vmov s29  }
0x1f3: {  	v4 =	vand.u32 $0xFFFFFFFE, v4  }
0x1f4: {  	v1 =	vadd.f32 v2, v1;
	v2 =	vmul.f32 v5, v6;
	v4 =	vbroadcast v4, $0x0;
	_ =	sdelay $0x1  }
0x1f5: {  	v1 =	vadd.f32 v2, v1;
	v2 =	vmul.f32 v3, v7;
	_ =	sdelay $0x1  }
0x1f6: {  	v1 =	vadd.f32 v2, v1;
	_ =	sdelay $0x1  }
0x1f7: {  	[tilespmem:v4+s18+$0x0] =	vst.idx.add.f32.msk $0xffff, v1  }
0x1f8: {  	v1 =	vld [tilespmem:s25+$0x0]  }
0x1f9: {  	v2 =	vld [tilespmem:s25+$0x10]  }
0x1fa: {  	v3 =	vld [tilespmem:s24+$0x10]  }
0x1fb: {  	v4 =	vld [tilespmem:s24+$0x0]  }
0x1fc: {  	v5 =	vld [tilespmem:s24+$0x20]  }
0x1fd: {  	v6 =	vld [tilespmem:s25+$0x20]  }
0x1fe: {  	v7 =	vld [tilespmem:s24+$0x30]  }
0x1ff: {  	v2 =	vmul.f32 v3, v2;
	v3 =	vld [tilespmem:s25+$0x30]  }
0x200: {  	v1 =	vmul.f32 v4, v1;
	v4 =	vld [tilespmem:s24+$0x40]  }
0x201: {  	v8 =	vld [tilespmem:s25+$0x40]  }
0x202: {  	v1 =	vadd.f32 v2, v1;
	v2 =	vmul.f32 v5, v6;
	v5 =	vld [tilespmem:s24+$0x50]  }
0x203: {  	v6 =	vld [tilespmem:s25+$0x50]  }
0x204: {  	v1 =	vadd.f32 v2, v1;
	v2 =	vmul.f32 v7, v3;
	v3 =	vld [tilespmem:s24+$0x60]  }
0x205: {  	v7 =	vld [tilespmem:s25+$0x60]  }
0x206: {  	v1 =	vadd.f32 v2, v1;
	v2 =	vmul.f32 v4, v8;
	v4 =	vld [tilespmem:s24+$0x70]  }
0x207: {  	v8 =	vld [tilespmem:s25+$0x70]  }
0x208: {  	v1 =	vadd.f32 v2, v1;
	v2 =	vmul.f32 v5, v6;
	v5 =	vld [tilespmem:s24+$0x80]  }
0x209: {  	v6 =	vld [tilespmem:s25+$0x80]  }
0x20a: {  	v1 =	vadd.f32 v2, v1;
	v2 =	vmul.f32 v3, v7;
	v3 =	vld [tilespmem:s24+$0x90]  }
0x20b: {  	v7 =	vld [tilespmem:s25+$0x90]  }
0x20c: {  	v1 =	vadd.f32 v2, v1;
	v2 =	vmul.f32 v4, v8;
	v4 =	vld [tilespmem:s24+$0xA0]  }
0x20d: {  	v8 =	vld [tilespmem:s25+$0xA0]  }
0x20e: {  	v1 =	vadd.f32 v2, v1;
	v2 =	vmul.f32 v5, v6;
	v5 =	vld [tilespmem:s24+$0xB0]  }
0x20f: {  	v6 =	vld [tilespmem:s25+$0xB0]  }
0x210: {  	v1 =	vadd.f32 v2, v1;
	v2 =	vmul.f32 v3, v7;
	v3 =	vld [tilespmem:s24+$0xC0]  }
0x211: {  	v7 =	vld [tilespmem:s25+$0xC0]  }
0x212: {  	v1 =	vadd.f32 v2, v1;
	v2 =	vmul.f32 v4, v8;
	v4 =	vld [tilespmem:s24+$0xD0]  }
0x213: {  	v8 =	vld [tilespmem:s25+$0xD0]  }
0x214: {  	v1 =	vadd.f32 v2, v1;
	v2 =	vmul.f32 v5, v6;
	v5 =	vld [tilespmem:s24+$0xE0]  }
0x215: {  	v6 =	vld [tilespmem:s25+$0xE0]  }
0x216: {  	v2 =	vadd.f32 v2, v1;
	v7 =	vmul.f32 v3, v7;
	v1 =	vld [tilespmem:s24+$0xF0]  }
.Ltmp6:
0x217: {  	v3 =	vld [tilespmem:s25+$0xF0];
	(pc) =	sbr.rel @p0 .LBB2_10-.Ltmp6, $3  }
0x218: {  	v2 =	vadd.f32 v7, v2;
	v4 =	vmul.f32 v4, v8;
	_ =	sdelay $0x1  }
0x219: {  	v4 =	vadd.f32 v4, v2;
	v5 =	vmul.f32 v5, v6  }
0x21a: {  	v2 =	vmov s28  }
.Ltmp7:
0x21b: {  	v4 =	vadd.f32 v5, v4;
	v1 =	vmul.f32 v1, v3;
	(pc) =	sbr.rel .LBB2_4-.Ltmp7, $3  }
0x21c: {  	_ = 	snop  }
0x21d: {  	v1 =	vadd.f32 v1, v4;
	_ =	sdelay $0x1  }
0x21e: {  	s23 =	sadd.s32 $0x1, s23;
	s22 =	sadd.s32 $0x78, s22;
	[tilespmem:v2+s18+$0x0] =	vst.idx.add.f32.msk $0xffff, v1  }
.LBB2_13:
0x21f: {  	_ =	sfence.sel $0x180000  }
0x220: {  	[bflag:$0x0] =	sbarrier.arrive $0xFFFF  }
0x221: {  	p0 =	sne.s32 s0, $0x0;
	_ =	strace $0x90000047  }
0x222: {  	s0 =	sadd.s32 @!p0 $0x100000, s1;
	[bflag:$0x2] =	sbarrier.arrive $0xFFFF  }
0x223: {  	[sflag:s0] =	ssyncadd.tile.s32 @!p0 $0x1;
	_ =	shalt  }
.Lfunc_end2:
_tile_overlayer_lowered:
.L_overlay_start_2:
0x224: {  	(tag) =	ssettag $0x2  }
0x225: {  	s0 =	rddreg [dreg:$0x0];
	s2 =	stileid.u32  }
0x226: {  	s1 =	rddreg [dreg:$0x1];
	p0 =	sne.s32 s2, $0x0  }
0x227: {  	s3 =	rddreg [dreg:$0x2];
	[bflag:$0x3] =	sbarrier.arrive $0xFFFF;
	s2 =	simm.s32 @!p0 $0x1C04  }
0x228: {  	[timem:s3], [sflag:s2] =	dma.local @!p0 [hbm:s0], s1  }
0x229: {  	s0 =	simm.s32 @!p0 $0x4  }
0x22a: {  	_ =	swait.ge @!p0 [sflag:s0], s1  }
0x22b: {  	s1 =	ssub.s32 @!p0 $0x0, s1;
	[sflag:s0] =	ssyncset.done @!p0 $0x0  }
0x22c: {  	[sflag:s0] =	ssyncadd.s32 @!p0 s1  }
0x22d: {  	[bflag:$0x3] =	sbarrier.arrive $0xFFFF  }
0x22e: {  	_ =	shalt  }

</sc_bundles>
